<compile_context>
chip_gen: v7x
topology: tpu7x:2x2x1
jax: 0.10.2.dev20260603
libtpu: 0.0.44.dev20260713+nightly
codegen_flags: <defaults>
</compile_context>

<pallas_src>
import functools

import jax
import jax.numpy as jnp
from jax import lax
from jax.experimental import pallas as pl
from jax.experimental.pallas import tpu as pltpu
from jax.experimental.pallas import tpu_sc as plsc

NC = 2
NS = 16
L = 16
EC = 360


def _ceil(a, b):
    return -(-a // b)


def _sc_degree(ei, NP, EPW):
    stripe = NP // NS
    KF = EPW // EC
    TR = EPW - KF * EC
    mesh = plsc.VectorSubcoreMesh(core_axis_name="c", subcore_axis_name="s")

    @functools.partial(
        pl.kernel,
        out_type=jax.ShapeDtypeStruct((NC, NP, L), jnp.float32),
        mesh=mesh,
        compiler_params=pltpu.CompilerParams(use_tc_tiling_on_sc=False),
        scratch_types=[
            pltpu.VMEM((EPW,), jnp.int32),
            pltpu.VMEM((EC, L), jnp.float32),
            pltpu.VMEM((EC, L), jnp.float32),
            pltpu.VMEM_SHARED((NP, L), jnp.float32),
            pltpu.SemaphoreType.DMA,
        ],
    )
    def k(ei_hbm, out_hbm, dst_v, zero_v, one_v, acc, dsem):
        c = lax.axis_index("c")
        s = lax.axis_index("s")
        w = c * NS + s

        def fill(i, _):
            zero_v[i, :] = jnp.zeros((L,), jnp.float32)
            one_v[i, :] = jnp.ones((L,), jnp.float32)
            return _

        lax.fori_loop(0, EC, fill, 0)
        tb = s * stripe
        for b in range(stripe // EC):
            pltpu.sync_copy(zero_v, acc.at[pl.ds(tb + b * EC, EC)])
        rem = stripe - (stripe // EC) * EC
        if rem:
            pltpu.sync_copy(zero_v.at[pl.ds(0, rem)],
                            acc.at[pl.ds(tb + (stripe // EC) * EC, rem)])
        pltpu.sync_copy(ei_hbm.at[1, pl.ds(w * EPW, EPW)], dst_v)
        plsc.subcore_barrier()

        def chunk(j, _):
            pltpu.async_copy(one_v, acc.at[dst_v.at[pl.ds(j * EC, EC)]],
                             dsem, add=True)
            return _

        lax.fori_loop(0, KF, chunk, 0)
        if TR:
            pltpu.sync_copy(one_v.at[pl.ds(0, TR)],
                            acc.at[dst_v.at[pl.ds(KF * EC, TR)]], add=True)

        def drain(j, _):
            pltpu.make_async_copy(one_v, acc.at[dst_v.at[pl.ds(j * EC, EC)]],
                                  dsem).wait()
            return _

        lax.fori_loop(0, KF, drain, 0)
        plsc.subcore_barrier()
        pltpu.sync_copy(acc.at[pl.ds(tb, stripe)],
                        out_hbm.at[c, pl.ds(tb, stripe)])

    return k(ei)


def _sc_propagate(table, ei, EPW):
    NP, D = table.shape
    stripe = NP // NS
    KF = EPW // EC
    TR = EPW - KF * EC
    KP = KF // 2
    mesh = plsc.VectorSubcoreMesh(core_axis_name="c", subcore_axis_name="s")

    @functools.partial(
        pl.kernel,
        out_type=jax.ShapeDtypeStruct((NC, NP, D), jnp.float32),
        mesh=mesh,
        compiler_params=pltpu.CompilerParams(use_tc_tiling_on_sc=False),
        scratch_types=[
            pltpu.VMEM((EPW,), jnp.int32),
            pltpu.VMEM((EPW,), jnp.int32),
            pltpu.VMEM((EC, D), jnp.float32),
            pltpu.VMEM((EC, D), jnp.float32),
            pltpu.VMEM_SHARED((NP, D), jnp.float32),
            pltpu.SemaphoreType.DMA,
            pltpu.SemaphoreType.DMA,
            pltpu.SemaphoreType.DMA,
            pltpu.SemaphoreType.DMA,
        ],
    )
    def k(table_hbm, ei_hbm, out_hbm, src_v, dst_v, r0, r1,
          acc, g0, g1, s0, s1):
        rows = [r0, r1]
        gsem = [g0, g1]
        ssem = [s0, s1]
        c = lax.axis_index("c")
        s = lax.axis_index("s")
        w = c * NS + s

        def zrow(i, _):
            for t in range(D // L):
                r0[i, pl.ds(t * L, L)] = jnp.zeros((L,), jnp.float32)
            return _

        lax.fori_loop(0, EC, zrow, 0)
        tb = s * stripe
        for b in range(stripe // EC):
            pltpu.sync_copy(r0, acc.at[pl.ds(tb + b * EC, EC)])
        rem = stripe - (stripe // EC) * EC
        if rem:
            pltpu.sync_copy(r0.at[pl.ds(0, rem)],
                            acc.at[pl.ds(tb + (stripe // EC) * EC, rem)])
        pltpu.sync_copy(ei_hbm.at[0, pl.ds(w * EPW, EPW)], src_v)
        pltpu.sync_copy(ei_hbm.at[1, pl.ds(w * EPW, EPW)], dst_v)
        plsc.subcore_barrier()

        def sidx(j):
            return src_v.at[pl.ds(j * EC, EC)]

        def didx(j):
            return dst_v.at[pl.ds(j * EC, EC)]

        def gwait(slot, j):
            pltpu.make_async_copy(table_hbm.at[sidx(j)], rows[slot],
                                  gsem[slot]).wait()

        def swait(slot, j):
            pltpu.make_async_copy(rows[slot], acc.at[didx(j)],
                                  ssem[slot]).wait()

        if KP:
            pltpu.async_copy(table_hbm.at[sidx(0)], rows[0], gsem[0])
            pltpu.async_copy(table_hbm.at[sidx(1)], rows[1], gsem[1])

            def chunk2(jj, _):
                j0 = 2 * jj
                for i in range(2):
                    j = j0 + i
                    gwait(i, j)
                    pltpu.async_copy(rows[i], acc.at[didx(j)],
                                     ssem[i], add=True)
                for i in range(2):
                    j = j0 + i
                    swait(i, j)

                    @pl.when(jj < KP - 1)
                    def _ig():
                        pltpu.async_copy(table_hbm.at[sidx(j + 2)],
                                         rows[i], gsem[i])
                return _

            lax.fori_loop(0, KP, chunk2, 0)

        extras = []
        if KF % 2:
            extras.append((2 * KP * EC, EC))
        if TR:
            extras.append((KF * EC, TR))
        for off, sz in extras:
            si = src_v.at[pl.ds(off, sz)]
            di = dst_v.at[pl.ds(off, sz)]
            rs = r0.at[pl.ds(0, sz)]
            pltpu.async_copy(table_hbm.at[si], rs, g0).wait()
            pltpu.sync_copy(rs, acc.at[di], add=True)
        plsc.subcore_barrier()
        pltpu.sync_copy(acc.at[pl.ds(tb, stripe)],
                        out_hbm.at[c, pl.ds(tb, stripe)])

    return k(table, ei)


def _tc_matmul(xp, W1p):
    NP, D = xp.shape
    Hp = W1p.shape[1]
    RB = NP // 8

    def body(x_ref, w_ref, o_ref):
        o_ref[...] = jnp.dot(x_ref[...], w_ref[...],
                             preferred_element_type=jnp.float32)

    return pl.pallas_call(
        body,
        grid=(8,),
        in_specs=[pl.BlockSpec((RB, D), lambda i: (i, 0)),
                  pl.BlockSpec((D, Hp), lambda i: (0, 0))],
        out_specs=pl.BlockSpec((RB, Hp), lambda i: (i, 0)),
        out_shape=jax.ShapeDtypeStruct((NP, Hp), jnp.float32),
    )(xp, W1p)


def _tc_scale(h1, degp):
    NP, Hp = h1.shape
    RB = NP // 8

    def body(deg_ref, h1_ref, h1s_ref, dinv_ref):
        deg = deg_ref[0] + deg_ref[1] + 1.0
        dinv = lax.rsqrt(jnp.maximum(deg, 1.0))
        dinv_ref[...] = dinv
        h1s_ref[...] = h1_ref[...] * dinv[:, 0:1]

    return pl.pallas_call(
        body,
        grid=(8,),
        in_specs=[pl.BlockSpec((NC, RB, L), lambda i: (0, i, 0)),
                  pl.BlockSpec((RB, Hp), lambda i: (i, 0))],
        out_specs=[pl.BlockSpec((RB, Hp), lambda i: (i, 0)),
                   pl.BlockSpec((RB, L), lambda i: (i, 0))],
        out_shape=[jax.ShapeDtypeStruct((NP, Hp), jnp.float32),
                   jax.ShapeDtypeStruct((NP, L), jnp.float32)],
    )(degp, h1)


def _tc_layer2(p, h1s, dinv, b1p, W2p):
    NP, Hp = h1s.shape
    Cp = W2p.shape[1]
    RB = NP // 8

    def body(p_ref, h1s_ref, dinv_ref, b1_ref, w2_ref, gs_ref):
        d = dinv_ref[:, 0:1]
        h = jnp.maximum((p_ref[0] + p_ref[1] + h1s_ref[...]) * d + b1_ref[...],
                        0.0)
        gs_ref[...] = jnp.dot(h, w2_ref[...],
                              preferred_element_type=jnp.float32) * d

    return pl.pallas_call(
        body,
        grid=(8,),
        in_specs=[pl.BlockSpec((NC, RB, Hp), lambda i: (0, i, 0)),
                  pl.BlockSpec((RB, Hp), lambda i: (i, 0)),
                  pl.BlockSpec((RB, L), lambda i: (i, 0)),
                  pl.BlockSpec((1, Hp), lambda i: (0, 0)),
                  pl.BlockSpec((Hp, Cp), lambda i: (0, 0))],
        out_specs=pl.BlockSpec((RB, Cp), lambda i: (i, 0)),
        out_shape=jax.ShapeDtypeStruct((NP, Cp), jnp.float32),
    )(p, h1s, dinv, b1p, W2p)


def _tc_final(q, gs, dinv, b2p, Wcp, bcp, N, C):
    NP, Cp = gs.shape
    RB = None
    for g in (5, 4, 8, 10, 16, 20, 25):
        if N % g == 0 and (N // g) % 8 == 0:
            RB = N // g
            ngrid = g
            break

    def body(q_ref, gs_ref, dinv_ref, b2_ref, wc_ref, bc_ref, h2_ref, out_ref):
        d = dinv_ref[:, 0:1]
        h2 = (q_ref[0] + q_ref[1] + gs_ref[...]) * d + b2_ref[...]
        outp = jnp.dot(h2, wc_ref[...],
                       preferred_element_type=jnp.float32) + bc_ref[...]
        if RB is not None:
            h2_ref[...] = h2[:, :C]
            out_ref[...] = outp[:, :C]
        else:
            h2_ref[...] = h2
            out_ref[...] = outp

    if RB is None:
        RB = NP // 8
        h2p, outp = pl.pallas_call(
            body,
            grid=(8,),
            in_specs=[pl.BlockSpec((NC, RB, Cp), lambda i: (0, i, 0)),
                      pl.BlockSpec((RB, Cp), lambda i: (i, 0)),
                      pl.BlockSpec((RB, L), lambda i: (i, 0)),
                      pl.BlockSpec((1, Cp), lambda i: (0, 0)),
                      pl.BlockSpec((Cp, Cp), lambda i: (0, 0)),
                      pl.BlockSpec((1, Cp), lambda i: (0, 0))],
            out_specs=[pl.BlockSpec((RB, Cp), lambda i: (i, 0)),
                       pl.BlockSpec((RB, Cp), lambda i: (i, 0))],
            out_shape=[jax.ShapeDtypeStruct((NP, Cp), jnp.float32),
                       jax.ShapeDtypeStruct((NP, Cp), jnp.float32)],
        )(q, gs, dinv, b2p, Wcp, bcp)
        return h2p[:N, :C], outp[:N, :C]

    h2, out = pl.pallas_call(
        body,
        grid=(ngrid,),
        in_specs=[pl.BlockSpec((NC, RB, Cp), lambda i: (0, i, 0)),
                  pl.BlockSpec((RB, Cp), lambda i: (i, 0)),
                  pl.BlockSpec((RB, L), lambda i: (i, 0)),
                  pl.BlockSpec((1, Cp), lambda i: (0, 0)),
                  pl.BlockSpec((Cp, Cp), lambda i: (0, 0)),
                  pl.BlockSpec((1, Cp), lambda i: (0, 0))],
        out_specs=[pl.BlockSpec((RB, C), lambda i: (i, 0)),
                   pl.BlockSpec((RB, C), lambda i: (i, 0))],
        out_shape=[jax.ShapeDtypeStruct((N, C), jnp.float32),
                   jax.ShapeDtypeStruct((N, C), jnp.float32)],
    )(q, gs, dinv, b2p, Wcp, bcp)
    return h2, out


def kernel(x, edge_index, W1, b1, W2, b2, Wc, bc):
    N, D = x.shape
    H = W1.shape[1]
    C = W2.shape[1]
    E = edge_index.shape[1]
    NW = NC * NS
    NP = _ceil(N + 1, 128) * 128
    Hp = _ceil(H, L) * L
    Cp = L

    NW8 = NW * 8
    Epad = _ceil(E, NW8) * NW8
    ei = edge_index.astype(jnp.int32)
    if Epad != E:
        padv = N + (jnp.arange(Epad - E, dtype=jnp.int32) % (NP - N))
        ei = jnp.concatenate([ei, jnp.stack([padv, padv])], axis=1)
    EPW = Epad // NW

    xp = jnp.pad(x, ((0, NP - N), (0, 0)))
    W1p = jnp.pad(W1, ((0, 0), (0, Hp - H)))
    b1p = jnp.pad(b1, (0, Hp - H))[None, :]
    W2p = jnp.pad(W2, ((0, Hp - H), (0, Cp - C)))
    b2p = jnp.pad(b2, (0, Cp - C))[None, :]
    Wcp = jnp.pad(Wc, ((0, Cp - C), (0, Cp - C)))
    bcp = jnp.pad(bc, (0, Cp - C))[None, :]

    degp = _sc_degree(ei, NP, EPW)
    h1 = _tc_matmul(xp, W1p)
    h1s, dinv = _tc_scale(h1, degp)
    p = _sc_propagate(h1s, ei, EPW)
    gs = _tc_layer2(p, h1s, dinv, b1p, W2p)
    q = _sc_propagate(gs, ei, EPW)
    h2, out = _tc_final(q, gs, dinv, b2p, Wcp, bcp, N, C)
    return (out, h2)

# --- scband reference (transcript-rebuilt; emitter-appended) ---
"""Pipeline reference for scband-gcn-22213570855080 (READ-ONLY COPY).

The authoritative reference and input builder live on the scoring server;
editing this copy changes nothing except your own understanding.
"""

import jax, jax.numpy as jnp
import numpy as np

N = 10000
E = 320000
D_IN = 128
H = 68
C = 2


def setup_inputs(seed: int = 0) -> dict:
    key = jax.random.key(seed)
    ks = jax.random.split(key, 8)
    x = jax.random.normal(ks[0], (N, D_IN), dtype=jnp.float32)
    edge_index = jax.random.randint(ks[1], (2, E), 0, N, dtype=jnp.int32)
    W1 = jax.random.normal(ks[2], (D_IN, H), dtype=jnp.float32) * (1.0 / np.sqrt(D_IN))
    b1 = jnp.zeros((H,), dtype=jnp.float32)
    W2 = jax.random.normal(ks[3], (H, C), dtype=jnp.float32) * (1.0 / np.sqrt(H))
    b2 = jnp.zeros((C,), dtype=jnp.float32)
    Wc = jax.random.normal(ks[4], (C, C), dtype=jnp.float32) * (1.0 / np.sqrt(C))
    bc = jnp.zeros((C,), dtype=jnp.float32)
    return {"x": x, "edge_index": edge_index, "W1": W1, "b1": b1, "W2": W2, "b2": b2, "Wc": Wc, "bc": bc}


def _gcn_conv(x, edge_index, W, b):
    # GCNConv: add self-loops, symmetric normalization D^-1/2 (A+I) D^-1/2 X W + b
    n = x.shape[0]
    loop = jnp.arange(n, dtype=edge_index.dtype)
    src = jnp.concatenate([edge_index[0], loop])
    dst = jnp.concatenate([edge_index[1], loop])
    ones = jnp.ones(src.shape[0], dtype=x.dtype)
    deg = jax.ops.segment_sum(ones, dst, num_segments=n)
    dinv = 1.0 / jnp.sqrt(jnp.maximum(deg, 1.0))
    norm = dinv[src] * dinv[dst]
    h = x @ W
    msg = h[src] * norm[:, None]
    agg = jax.ops.segment_sum(msg, dst, num_segments=n)
    return agg + b


def reference(x, edge_index, W1, b1, W2, b2, Wc, bc):
    h = jax.nn.relu(_gcn_conv(x, edge_index, W1, b1))
    # dropout_prob = 0.0 -> identity
    h2 = _gcn_conv(h, edge_index, W2, b2)
    out = h2 @ Wc + bc
    return (out, h2)

if __name__ == "__main__":
    import jax
    _d = setup_inputs()
    print(jax.jit(kernel)(*tuple(_d.values())))

</pallas_src>

<mosaic_0001>
#map = affine_map<(d0, d1) -> (0, 0)>
#map1 = affine_map<(d0, d1) -> (0, 0, 0)>
module attributes {stable_mosaic.version = 14 : i64} {
  func.func @k(%arg0: i32, %arg1: i32, %arg2: memref<2x320000xi32, #tpu.memory_space<hbm>>, %arg3: memref<2x10112x16xf32, #tpu.memory_space<hbm>>, %arg4: memref<10000xi32, #tpu.memory_space<vmem>>, %arg5: memref<360x16xf32, #tpu.memory_space<vmem>>, %arg6: memref<360x16xf32, #tpu.memory_space<vmem>>, %arg7: memref<10112x16xf32, #tpu.memory_space<vmem_shared>>, %arg8: memref<!tpu.dma_semaphore, #tpu.memory_space<semaphore_mem>>) attributes {dimension_semantics = [#tpu.dimension_semantics<core_parallel>, #tpu.dimension_semantics<subcore_parallel>], iteration_bounds = array<i64: 2, 16>, scalar_prefetch = 0 : i64, scratch_operands = 5 : i64, tpu.core_type = #tpu.core_type<sc_vector_subcore>, window_params = [{transform_indices = #map}, {transform_indices = #map1}]} {
    %mul3A = arith.constant 16 : i32
    %mul3A_0 = arith.muli %arg0, %mul3A : i32
    %add3A = arith.addi %mul3A_0, %arg1 : i32
    %scan3A = arith.constant 0 : i32
    %scan3A_1 = arith.constant 0 : i32
    %scan3A_2 = arith.constant 360 : i32
    %scan3A_3 = arith.addi %scan3A_1, %scan3A_2 : i32
    %scan3A_4 = arith.constant 1 : i32
    scf.for %scan3A_27 = %scan3A_1 to %scan3A_3 step %scan3A_4  : i32 {
      %broadcast_in_dim3A = arith.constant 0.000000e+00 : f32
      %broadcast_in_dim3A_28 = vector.broadcast %broadcast_in_dim3A : f32 to vector<16xf32>
      %swap3A = arith.index_cast %scan3A_27 : i32 to index
      %swap3A_29 = arith.constant 0 : index
      %swap3A_30 = tpu.vector_load %arg5[%swap3A, %swap3A_29] {strides = array<i32>} : memref<360x16xf32, #tpu.memory_space<vmem>>, vector<1x16xf32>,
      %swap3A_31 = vector.shape_cast %swap3A_30 : vector<1x16xf32> to vector<16xf32>
      %swap3A_32 = vector.shape_cast %broadcast_in_dim3A_28 : vector<16xf32> to vector<1x16xf32>
      tpu.vector_store %arg5[%swap3A, %swap3A_29], %swap3A_32 {strides = array<i32>} : memref<360x16xf32, #tpu.memory_space<vmem>>, vector<1x16xf32>,
      %broadcast_in_dim3A_33 = arith.constant 1.000000e+00 : f32
      %broadcast_in_dim3A_34 = vector.broadcast %broadcast_in_dim3A_33 : f32 to vector<16xf32>
      %swap3A_35 = arith.index_cast %scan3A_27 : i32 to index
      %swap3A_36 = arith.constant 0 : index
      %swap3A_37 = tpu.vector_load %arg6[%swap3A_35, %swap3A_36] {strides = array<i32>} : memref<360x16xf32, #tpu.memory_space<vmem>>, vector<1x16xf32>,
      %swap3A_38 = vector.shape_cast %swap3A_37 : vector<1x16xf32> to vector<16xf32>
      %swap3A_39 = vector.shape_cast %broadcast_in_dim3A_34 : vector<16xf32> to vector<1x16xf32>
      tpu.vector_store %arg6[%swap3A_35, %swap3A_36], %swap3A_39 {strides = array<i32>} : memref<360x16xf32, #tpu.memory_space<vmem>>, vector<1x16xf32>,
    }
    %scan3A_5 = arith.constant 360 : i32
    %mul3A_6 = arith.constant 632 : i32
    %mul3A_7 = arith.muli %arg1, %mul3A_6 : i32
    %add3A_8 = arith.constant 0 : i32
    %add3A_9 = arith.addi %mul3A_7, %add3A_8 : i32
    "tpu.region"() ({
      %run_scoped3A_27 = tpu.sem_alloc : memref<!tpu.dma_semaphore, #tpu.memory_space<semaphore_mem>>
      %dma_start3A = arith.constant 0 : i32
      %dma_start3A_28 = tpu.memref_slice %arg7[%add3A_9, %dma_start3A] : memref<10112x16xf32, #tpu.memory_space<vmem_shared>> -> memref<360x16xf32, #tpu.memory_space<vmem_shared>>
      %dma_start3A_29 = arith.constant 0 : i32
      %dma_start3A_30 = tpu.memref_slice %arg7[%add3A_9, %dma_start3A_29] : memref<10112x16xf32, #tpu.memory_space<vmem_shared>> -> memref<360x16xf32, #tpu.memory_space<vmem_shared>>
      tpu.enqueue_dma source(%arg5 : memref<360x16xf32, #tpu.memory_space<vmem>>) target(%dma_start3A_30 : memref<360x16xf32, #tpu.memory_space<vmem_shared>>) target_semaphore(%run_scoped3A_27 : memref<!tpu.dma_semaphore, #tpu.memory_space<semaphore_mem>>)
      %dma_wait3A = arith.constant 0 : i32
      %dma_wait3A_31 = tpu.memref_slice %arg7[%add3A_9, %dma_wait3A] : memref<10112x16xf32, #tpu.memory_space<vmem_shared>> -> memref<360x16xf32, #tpu.memory_space<vmem_shared>>
      %dma_wait3A_32 = arith.constant 0 : i32
      %dma_wait3A_33 = tpu.memref_slice %arg7[%add3A_9, %dma_wait3A_32] : memref<10112x16xf32, #tpu.memory_space<vmem_shared>> -> memref<360x16xf32, #tpu.memory_space<vmem_shared>>
      tpu.wait_dma2 semaphore(%run_scoped3A_27 : memref<!tpu.dma_semaphore, #tpu.memory_space<semaphore_mem>>) src(%arg5 : memref<360x16xf32, #tpu.memory_space<vmem>>) dst(%dma_wait3A_33 : memref<360x16xf32, #tpu.memory_space<vmem_shared>>)
      tpu.yield
    }) : () -> ()
    %add3A_10 = arith.constant 360 : i32
    %add3A_11 = arith.addi %mul3A_7, %add3A_10 : i32
    "tpu.region"() ({
      %run_scoped3A_27 = tpu.sem_alloc : memref<!tpu.dma_semaphore, #tpu.memory_space<semaphore_mem>>
      %dma_start3A = arith.constant 0 : i32
      %dma_start3A_28 = arith.constant 0 : i32
      %dma_start3A_29 = tpu.memref_slice %arg5[%dma_start3A, %dma_start3A_28] : memref<360x16xf32, #tpu.memory_space<vmem>> -> memref<272x16xf32, #tpu.memory_space<vmem>>
      %dma_start3A_30 = arith.constant 0 : i32
      %dma_start3A_31 = tpu.memref_slice %arg7[%add3A_11, %dma_start3A_30] : memref<10112x16xf32, #tpu.memory_space<vmem_shared>> -> memref<272x16xf32, #tpu.memory_space<vmem_shared>>
      %dma_start3A_32 = arith.constant 0 : i32
      %dma_start3A_33 = tpu.memref_slice %arg7[%add3A_11, %dma_start3A_32] : memref<10112x16xf32, #tpu.memory_space<vmem_shared>> -> memref<272x16xf32, #tpu.memory_space<vmem_shared>>
      %dma_start3A_34 = arith.constant 0 : i32
      %dma_start3A_35 = arith.constant 0 : i32
      %dma_start3A_36 = tpu.memref_slice %arg5[%dma_start3A_34, %dma_start3A_35] : memref<360x16xf32, #tpu.memory_space<vmem>> -> memref<272x16xf32, #tpu.memory_space<vmem>>
      tpu.enqueue_dma source(%dma_start3A_36 : memref<272x16xf32, #tpu.memory_space<vmem>>) target(%dma_start3A_33 : memref<272x16xf32, #tpu.memory_space<vmem_shared>>) target_semaphore(%run_scoped3A_27 : memref<!tpu.dma_semaphore, #tpu.memory_space<semaphore_mem>>)
      %dma_wait3A = arith.constant 0 : i32
      %dma_wait3A_37 = arith.constant 0 : i32
      %dma_wait3A_38 = tpu.memref_slice %arg5[%dma_wait3A, %dma_wait3A_37] : memref<360x16xf32, #tpu.memory_space<vmem>> -> memref<272x16xf32, #tpu.memory_space<vmem>>
      %dma_wait3A_39 = arith.constant 0 : i32
      %dma_wait3A_40 = tpu.memref_slice %arg7[%add3A_11, %dma_wait3A_39] : memref<10112x16xf32, #tpu.memory_space<vmem_shared>> -> memref<272x16xf32, #tpu.memory_space<vmem_shared>>
      %dma_wait3A_41 = arith.constant 0 : i32
      %dma_wait3A_42 = tpu.memref_slice %arg7[%add3A_11, %dma_wait3A_41] : memref<10112x16xf32, #tpu.memory_space<vmem_shared>> -> memref<272x16xf32, #tpu.memory_space<vmem_shared>>
      %dma_wait3A_43 = arith.constant 0 : i32
      %dma_wait3A_44 = arith.constant 0 : i32
      %dma_wait3A_45 = tpu.memref_slice %arg5[%dma_wait3A_43, %dma_wait3A_44] : memref<360x16xf32, #tpu.memory_space<vmem>> -> memref<272x16xf32, #tpu.memory_space<vmem>>
      tpu.wait_dma2 semaphore(%run_scoped3A_27 : memref<!tpu.dma_semaphore, #tpu.memory_space<semaphore_mem>>) src(%dma_wait3A_45 : memref<272x16xf32, #tpu.memory_space<vmem>>) dst(%dma_wait3A_42 : memref<272x16xf32, #tpu.memory_space<vmem_shared>>)
      tpu.yield
    }) : () -> ()
    %mul3A_12 = arith.constant 10000 : i32
    %mul3A_13 = arith.muli %add3A, %mul3A_12 : i32
    %run_scoped3A = arith.constant 1 : i32
    "tpu.region"() ({
      %run_scoped3A_27 = tpu.sem_alloc : memref<!tpu.dma_semaphore, #tpu.memory_space<semaphore_mem>>
      %dma_start3A = tpu.memref_slice %arg2[%run_scoped3A, %mul3A_13] : memref<2x320000xi32, #tpu.memory_space<hbm>> -> memref<1x10000xi32, #tpu.memory_space<hbm>>
      %dma_start3A_28 = tpu.memref_squeeze %dma_start3A : memref<1x10000xi32, #tpu.memory_space<hbm>> -> memref<10000xi32, #tpu.memory_space<hbm>>
      %dma_start3A_29 = tpu.memref_slice %arg2[%run_scoped3A, %mul3A_13] : memref<2x320000xi32, #tpu.memory_space<hbm>> -> memref<1x10000xi32, #tpu.memory_space<hbm>>
      %dma_start3A_30 = tpu.memref_squeeze %dma_start3A_29 : memref<1x10000xi32, #tpu.memory_space<hbm>> -> memref<10000xi32, #tpu.memory_space<hbm>>
      tpu.enqueue_dma source(%dma_start3A_30 : memref<10000xi32, #tpu.memory_space<hbm>>) target(%arg4 : memref<10000xi32, #tpu.memory_space<vmem>>) target_semaphore(%run_scoped3A_27 : memref<!tpu.dma_semaphore, #tpu.memory_space<semaphore_mem>>)
      %dma_wait3A = tpu.memref_slice %arg2[%run_scoped3A, %mul3A_13] : memref<2x320000xi32, #tpu.memory_space<hbm>> -> memref<1x10000xi32, #tpu.memory_space<hbm>>
      %dma_wait3A_31 = tpu.memref_squeeze %dma_wait3A : memref<1x10000xi32, #tpu.memory_space<hbm>> -> memref<10000xi32, #tpu.memory_space<hbm>>
      %dma_wait3A_32 = tpu.memref_slice %arg2[%run_scoped3A, %mul3A_13] : memref<2x320000xi32, #tpu.memory_space<hbm>> -> memref<1x10000xi32, #tpu.memory_space<hbm>>
      %dma_wait3A_33 = tpu.memref_squeeze %dma_wait3A_32 : memref<1x10000xi32, #tpu.memory_space<hbm>> -> memref<10000xi32, #tpu.memory_space<hbm>>
      tpu.wait_dma2 semaphore(%run_scoped3A_27 : memref<!tpu.dma_semaphore, #tpu.memory_space<semaphore_mem>>) src(%dma_wait3A_33 : memref<10000xi32, #tpu.memory_space<hbm>>) dst(%arg4 : memref<10000xi32, #tpu.memory_space<vmem>>)
      tpu.yield
    }) : () -> ()
    %barrier3A = arith.constant 0 : index
    tpu.barrier barrier_id(%barrier3A)
    %scan3A_14 = arith.constant 0 : i32
    %scan3A_15 = arith.constant 0 : i32
    %scan3A_16 = arith.constant 27 : i32
    %scan3A_17 = arith.addi %scan3A_15, %scan3A_16 : i32
    %scan3A_18 = arith.constant 1 : i32
    scf.for %scan3A_27 = %scan3A_15 to %scan3A_17 step %scan3A_18  : i32 {
      %mul3A_28 = arith.constant 360 : i32
      %mul3A_29 = arith.muli %scan3A_27, %mul3A_28 : i32
      %dma_start3A = tpu.memref_slice %arg4[%mul3A_29] : memref<10000xi32, #tpu.memory_space<vmem>> -> memref<360xi32, #tpu.memory_space<vmem>>
      %dma_start3A_30 = arith.constant 0 : i32
      %dma_start3A_31 = arith.constant 0 : i32
      %dma_start3A_32 = tpu.memref_slice %arg7[%dma_start3A_30, %dma_start3A_31] : memref<10112x16xf32, #tpu.memory_space<vmem_shared>> -> memref<10112x16xf32, #tpu.memory_space<vmem_shared>>
      tpu.enqueue_indirect_dma source(%arg6 : memref<360x16xf32, #tpu.memory_space<vmem>>) target(%dma_start3A_32 : memref<10112x16xf32, #tpu.memory_space<vmem_shared>>) offsets(%dma_start3A : memref<360xi32, #tpu.memory_space<vmem>>) semaphore(%arg8 : memref<!tpu.dma_semaphore, #tpu.memory_space<semaphore_mem>>) {add = true}
    }
    %scan3A_19 = arith.constant 27 : i32
    "tpu.region"() ({
      %run_scoped3A_27 = tpu.sem_alloc : memref<!tpu.dma_semaphore, #tpu.memory_space<semaphore_mem>>
      %dma_start3A = arith.constant 0 : i32
      %dma_start3A_28 = arith.constant 0 : i32
      %dma_start3A_29 = tpu.memref_slice %arg6[%dma_start3A, %dma_start3A_28] : memref<360x16xf32, #tpu.memory_space<vmem>> -> memref<280x16xf32, #tpu.memory_space<vmem>>
      %dma_start3A_30 = arith.constant 9720 : i32
      %dma_start3A_31 = tpu.memref_slice %arg4[%dma_start3A_30] : memref<10000xi32, #tpu.memory_space<vmem>> -> memref<280xi32, #tpu.memory_space<vmem>>
      %dma_start3A_32 = arith.constant 0 : i32
      %dma_start3A_33 = arith.constant 0 : i32
      %dma_start3A_34 = tpu.memref_slice %arg7[%dma_start3A_32, %dma_start3A_33] : memref<10112x16xf32, #tpu.memory_space<vmem_shared>> -> memref<10112x16xf32, #tpu.memory_space<vmem_shared>>
      tpu.enqueue_indirect_dma source(%dma_start3A_29 : memref<280x16xf32, #tpu.memory_space<vmem>>) target(%dma_start3A_34 : memref<10112x16xf32, #tpu.memory_space<vmem_shared>>) offsets(%dma_start3A_31 : memref<280xi32, #tpu.memory_space<vmem>>) semaphore(%run_scoped3A_27 : memref<!tpu.dma_semaphore, #tpu.memory_space<semaphore_mem>>) {add = true}
      %dma_wait3A = arith.constant 0 : i32
      %dma_wait3A_35 = arith.constant 0 : i32
      %dma_wait3A_36 = tpu.memref_slice %arg6[%dma_wait3A, %dma_wait3A_35] : memref<360x16xf32, #tpu.memory_space<vmem>> -> memref<280x16xf32, #tpu.memory_space<vmem>>
      %dma_wait3A_37 = arith.constant 9720 : i32
      %dma_wait3A_38 = tpu.memref_slice %arg4[%dma_wait3A_37] : memref<10000xi32, #tpu.memory_space<vmem>> -> memref<280xi32, #tpu.memory_space<vmem>>
      %dma_wait3A_39 = arith.constant 0 : i32
      %dma_wait3A_40 = arith.constant 0 : i32
      %dma_wait3A_41 = tpu.memref_slice %arg7[%dma_wait3A_39, %dma_wait3A_40] : memref<10112x16xf32, #tpu.memory_space<vmem_shared>> -> memref<10112x16xf32, #tpu.memory_space<vmem_shared>>
      tpu.wait_indirect_dma semaphore(%run_scoped3A_27 : memref<!tpu.dma_semaphore, #tpu.memory_space<semaphore_mem>>) src(%dma_wait3A_36 : memref<280x16xf32, #tpu.memory_space<vmem>>) dst(%dma_wait3A_41 : memref<10112x16xf32, #tpu.memory_space<vmem_shared>>)
      tpu.yield
    }) : () -> ()
    %scan3A_20 = arith.constant 0 : i32
    %scan3A_21 = arith.constant 0 : i32
    %scan3A_22 = arith.constant 27 : i32
    %scan3A_23 = arith.addi %scan3A_21, %scan3A_22 : i32
    %scan3A_24 = arith.constant 1 : i32
    scf.for %scan3A_27 = %scan3A_21 to %scan3A_23 step %scan3A_24  : i32 {
      %mul3A_28 = arith.constant 360 : i32
      %mul3A_29 = arith.muli %scan3A_27, %mul3A_28 : i32
      %dma_wait3A = tpu.memref_slice %arg4[%mul3A_29] : memref<10000xi32, #tpu.memory_space<vmem>> -> memref<360xi32, #tpu.memory_space<vmem>>
      %dma_wait3A_30 = arith.constant 0 : i32
      %dma_wait3A_31 = arith.constant 0 : i32
      %dma_wait3A_32 = tpu.memref_slice %arg7[%dma_wait3A_30, %dma_wait3A_31] : memref<10112x16xf32, #tpu.memory_space<vmem_shared>> -> memref<10112x16xf32, #tpu.memory_space<vmem_shared>>
      tpu.wait_indirect_dma semaphore(%arg8 : memref<!tpu.dma_semaphore, #tpu.memory_space<semaphore_mem>>) src(%arg6 : memref<360x16xf32, #tpu.memory_space<vmem>>) dst(%dma_wait3A_32 : memref<10112x16xf32, #tpu.memory_space<vmem_shared>>)
    }
    %scan3A_25 = arith.constant 27 : i32
    %barrier3A_26 = arith.constant 0 : index
    tpu.barrier barrier_id(%barrier3A_26)
    "tpu.region"() ({
      %run_scoped3A_27 = tpu.sem_alloc : memref<!tpu.dma_semaphore, #tpu.memory_space<semaphore_mem>>
      %dma_start3A = arith.constant 0 : i32
      %dma_start3A_28 = tpu.memref_slice %arg3[%arg0, %mul3A_7, %dma_start3A] : memref<2x10112x16xf32, #tpu.memory_space<hbm>> -> memref<1x632x16xf32, #tpu.memory_space<hbm>>
      %dma_start3A_29 = tpu.memref_squeeze %dma_start3A_28 : memref<1x632x16xf32, #tpu.memory_space<hbm>> -> memref<632x16xf32, #tpu.memory_space<hbm>>
      %dma_start3A_30 = arith.constant 0 : i32
      %dma_start3A_31 = tpu.memref_slice %arg7[%mul3A_7, %dma_start3A_30] : memref<10112x16xf32, #tpu.memory_space<vmem_shared>> -> memref<632x16xf32, #tpu.memory_space<vmem_shared>>
      tpu.enqueue_dma source(%dma_start3A_31 : memref<632x16xf32, #tpu.memory_space<vmem_shared>>) target(%dma_start3A_29 : memref<632x16xf32, #tpu.memory_space<hbm>>) target_semaphore(%run_scoped3A_27 : memref<!tpu.dma_semaphore, #tpu.memory_space<semaphore_mem>>)
      %dma_wait3A = arith.constant 0 : i32
      %dma_wait3A_32 = tpu.memref_slice %arg3[%arg0, %mul3A_7, %dma_wait3A] : memref<2x10112x16xf32, #tpu.memory_space<hbm>> -> memref<1x632x16xf32, #tpu.memory_space<hbm>>
      %dma_wait3A_33 = tpu.memref_squeeze %dma_wait3A_32 : memref<1x632x16xf32, #tpu.memory_space<hbm>> -> memref<632x16xf32, #tpu.memory_space<hbm>>
      %dma_wait3A_34 = arith.constant 0 : i32
      %dma_wait3A_35 = tpu.memref_slice %arg7[%mul3A_7, %dma_wait3A_34] : memref<10112x16xf32, #tpu.memory_space<vmem_shared>> -> memref<632x16xf32, #tpu.memory_space<vmem_shared>>
      tpu.wait_dma2 semaphore(%run_scoped3A_27 : memref<!tpu.dma_semaphore, #tpu.memory_space<semaphore_mem>>) src(%dma_wait3A_35 : memref<632x16xf32, #tpu.memory_space<vmem_shared>>) dst(%dma_wait3A_33 : memref<632x16xf32, #tpu.memory_space<hbm>>)
      tpu.yield
    }) : () -> ()
    return
  }
}

#map = affine_map<(d0, d1) -> (0, 0)>
#map1 = affine_map<(d0, d1) -> (0, 0, 0)>
module attributes {stable_mosaic.version = 14 : i64} {
  func.func @k(%arg0: i32, %arg1: i32, %arg2: memref<10112x80xf32, #tpu.memory_space<hbm>>, %arg3: memref<2x320000xi32, #tpu.memory_space<hbm>>, %arg4: memref<2x10112x80xf32, #tpu.memory_space<hbm>>, %arg5: memref<10000xi32, #tpu.memory_space<vmem>>, %arg6: memref<10000xi32, #tpu.memory_space<vmem>>, %arg7: memref<360x80xf32, #tpu.memory_space<vmem>>, %arg8: memref<360x80xf32, #tpu.memory_space<vmem>>, %arg9: memref<10112x80xf32, #tpu.memory_space<vmem_shared>>, %arg10: memref<!tpu.dma_semaphore, #tpu.memory_space<semaphore_mem>>, %arg11: memref<!tpu.dma_semaphore, #tpu.memory_space<semaphore_mem>>, %arg12: memref<!tpu.dma_semaphore, #tpu.memory_space<semaphore_mem>>, %arg13: memref<!tpu.dma_semaphore, #tpu.memory_space<semaphore_mem>>) attributes {dimension_semantics = [#tpu.dimension_semantics<core_parallel>, #tpu.dimension_semantics<subcore_parallel>], iteration_bounds = array<i64: 2, 16>, scalar_prefetch = 0 : i64, scratch_operands = 9 : i64, tpu.core_type = #tpu.core_type<sc_vector_subcore>, window_params = [{transform_indices = #map}, {transform_indices = #map}, {transform_indices = #map1}]} {
    %mul3A = arith.constant 16 : i32
    %mul3A_0 = arith.muli %arg0, %mul3A : i32
    %add3A = arith.addi %mul3A_0, %arg1 : i32
    %scan3A = arith.constant 0 : i32
    %scan3A_1 = arith.constant 0 : i32
    %scan3A_2 = arith.constant 360 : i32
    %scan3A_3 = arith.addi %scan3A_1, %scan3A_2 : i32
    %scan3A_4 = arith.constant 1 : i32
    scf.for %scan3A_64 = %scan3A_1 to %scan3A_3 step %scan3A_4  : i32 {
      %broadcast_in_dim3A = arith.constant 0.000000e+00 : f32
      %broadcast_in_dim3A_65 = vector.broadcast %broadcast_in_dim3A : f32 to vector<16xf32>
      %swap3A = arith.index_cast %scan3A_64 : i32 to index
      %swap3A_66 = arith.constant 0 : index
      %swap3A_67 = tpu.vector_load %arg7[%swap3A, %swap3A_66] {strides = array<i32>} : memref<360x80xf32, #tpu.memory_space<vmem>>, vector<1x16xf32>,
      %swap3A_68 = vector.shape_cast %swap3A_67 : vector<1x16xf32> to vector<16xf32>
      %swap3A_69 = vector.shape_cast %broadcast_in_dim3A_65 : vector<16xf32> to vector<1x16xf32>
      tpu.vector_store %arg7[%swap3A, %swap3A_66], %swap3A_69 {strides = array<i32>} : memref<360x80xf32, #tpu.memory_space<vmem>>, vector<1x16xf32>,
      %broadcast_in_dim3A_70 = arith.constant 0.000000e+00 : f32
      %broadcast_in_dim3A_71 = vector.broadcast %broadcast_in_dim3A_70 : f32 to vector<16xf32>
      %swap3A_72 = arith.index_cast %scan3A_64 : i32 to index
      %swap3A_73 = arith.constant 16 : index
      %swap3A_74 = tpu.vector_load %arg7[%swap3A_72, %swap3A_73] {strides = array<i32>} : memref<360x80xf32, #tpu.memory_space<vmem>>, vector<1x16xf32>,
      %swap3A_75 = vector.shape_cast %swap3A_74 : vector<1x16xf32> to vector<16xf32>
      %swap3A_76 = vector.shape_cast %broadcast_in_dim3A_71 : vector<16xf32> to vector<1x16xf32>
      tpu.vector_store %arg7[%swap3A_72, %swap3A_73], %swap3A_76 {strides = array<i32>} : memref<360x80xf32, #tpu.memory_space<vmem>>, vector<1x16xf32>,
      %broadcast_in_dim3A_77 = arith.constant 0.000000e+00 : f32
      %broadcast_in_dim3A_78 = vector.broadcast %broadcast_in_dim3A_77 : f32 to vector<16xf32>
      %swap3A_79 = arith.index_cast %scan3A_64 : i32 to index
      %swap3A_80 = arith.constant 32 : index
      %swap3A_81 = tpu.vector_load %arg7[%swap3A_79, %swap3A_80] {strides = array<i32>} : memref<360x80xf32, #tpu.memory_space<vmem>>, vector<1x16xf32>,
      %swap3A_82 = vector.shape_cast %swap3A_81 : vector<1x16xf32> to vector<16xf32>
      %swap3A_83 = vector.shape_cast %broadcast_in_dim3A_78 : vector<16xf32> to vector<1x16xf32>
      tpu.vector_store %arg7[%swap3A_79, %swap3A_80], %swap3A_83 {strides = array<i32>} : memref<360x80xf32, #tpu.memory_space<vmem>>, vector<1x16xf32>,
      %broadcast_in_dim3A_84 = arith.constant 0.000000e+00 : f32
      %broadcast_in_dim3A_85 = vector.broadcast %broadcast_in_dim3A_84 : f32 to vector<16xf32>
      %swap3A_86 = arith.index_cast %scan3A_64 : i32 to index
      %swap3A_87 = arith.constant 48 : index
      %swap3A_88 = tpu.vector_load %arg7[%swap3A_86, %swap3A_87] {strides = array<i32>} : memref<360x80xf32, #tpu.memory_space<vmem>>, vector<1x16xf32>,
      %swap3A_89 = vector.shape_cast %swap3A_88 : vector<1x16xf32> to vector<16xf32>
      %swap3A_90 = vector.shape_cast %broadcast_in_dim3A_85 : vector<16xf32> to vector<1x16xf32>
      tpu.vector_store %arg7[%swap3A_86, %swap3A_87], %swap3A_90 {strides = array<i32>} : memref<360x80xf32, #tpu.memory_space<vmem>>, vector<1x16xf32>,
      %broadcast_in_dim3A_91 = arith.constant 0.000000e+00 : f32
      %broadcast_in_dim3A_92 = vector.broadcast %broadcast_in_dim3A_91 : f32 to vector<16xf32>
      %swap3A_93 = arith.index_cast %scan3A_64 : i32 to index
      %swap3A_94 = arith.constant 64 : index
      %swap3A_95 = tpu.vector_load %arg7[%swap3A_93, %swap3A_94] {strides = array<i32>} : memref<360x80xf32, #tpu.memory_space<vmem>>, vector<1x16xf32>,
      %swap3A_96 = vector.shape_cast %swap3A_95 : vector<1x16xf32> to vector<16xf32>
      %swap3A_97 = vector.shape_cast %broadcast_in_dim3A_92 : vector<16xf32> to vector<1x16xf32>
      tpu.vector_store %arg7[%swap3A_93, %swap3A_94], %swap3A_97 {strides = array<i32>} : memref<360x80xf32, #tpu.memory_space<vmem>>, vector<1x16xf32>,
    }
    %scan3A_5 = arith.constant 360 : i32
    %mul3A_6 = arith.constant 632 : i32
    %mul3A_7 = arith.muli %arg1, %mul3A_6 : i32
    %add3A_8 = arith.constant 0 : i32
    %add3A_9 = arith.addi %mul3A_7, %add3A_8 : i32
    "tpu.region"() ({
      %run_scoped3A_64 = tpu.sem_alloc : memref<!tpu.dma_semaphore, #tpu.memory_space<semaphore_mem>>
      %dma_start3A_65 = arith.constant 0 : i32
      %dma_start3A_66 = tpu.memref_slice %arg9[%add3A_9, %dma_start3A_65] : memref<10112x80xf32, #tpu.memory_space<vmem_shared>> -> memref<360x80xf32, #tpu.memory_space<vmem_shared>>
      %dma_start3A_67 = arith.constant 0 : i32
      %dma_start3A_68 = tpu.memref_slice %arg9[%add3A_9, %dma_start3A_67] : memref<10112x80xf32, #tpu.memory_space<vmem_shared>> -> memref<360x80xf32, #tpu.memory_space<vmem_shared>>
      tpu.enqueue_dma source(%arg7 : memref<360x80xf32, #tpu.memory_space<vmem>>) target(%dma_start3A_68 : memref<360x80xf32, #tpu.memory_space<vmem_shared>>) target_semaphore(%run_scoped3A_64 : memref<!tpu.dma_semaphore, #tpu.memory_space<semaphore_mem>>)
      %dma_wait3A_69 = arith.constant 0 : i32
      %dma_wait3A_70 = tpu.memref_slice %arg9[%add3A_9, %dma_wait3A_69] : memref<10112x80xf32, #tpu.memory_space<vmem_shared>> -> memref<360x80xf32, #tpu.memory_space<vmem_shared>>
      %dma_wait3A_71 = arith.constant 0 : i32
      %dma_wait3A_72 = tpu.memref_slice %arg9[%add3A_9, %dma_wait3A_71] : memref<10112x80xf32, #tpu.memory_space<vmem_shared>> -> memref<360x80xf32, #tpu.memory_space<vmem_shared>>
      tpu.wait_dma2 semaphore(%run_scoped3A_64 : memref<!tpu.dma_semaphore, #tpu.memory_space<semaphore_mem>>) src(%arg7 : memref<360x80xf32, #tpu.memory_space<vmem>>) dst(%dma_wait3A_72 : memref<360x80xf32, #tpu.memory_space<vmem_shared>>)
      tpu.yield
    }) : () -> ()
    %add3A_10 = arith.constant 360 : i32
    %add3A_11 = arith.addi %mul3A_7, %add3A_10 : i32
    "tpu.region"() ({
      %run_scoped3A_64 = tpu.sem_alloc : memref<!tpu.dma_semaphore, #tpu.memory_space<semaphore_mem>>
      %dma_start3A_65 = arith.constant 0 : i32
      %dma_start3A_66 = arith.constant 0 : i32
      %dma_start3A_67 = tpu.memref_slice %arg7[%dma_start3A_65, %dma_start3A_66] : memref<360x80xf32, #tpu.memory_space<vmem>> -> memref<272x80xf32, #tpu.memory_space<vmem>>
      %dma_start3A_68 = arith.constant 0 : i32
      %dma_start3A_69 = tpu.memref_slice %arg9[%add3A_11, %dma_start3A_68] : memref<10112x80xf32, #tpu.memory_space<vmem_shared>> -> memref<272x80xf32, #tpu.memory_space<vmem_shared>>
      %dma_start3A_70 = arith.constant 0 : i32
      %dma_start3A_71 = tpu.memref_slice %arg9[%add3A_11, %dma_start3A_70] : memref<10112x80xf32, #tpu.memory_space<vmem_shared>> -> memref<272x80xf32, #tpu.memory_space<vmem_shared>>
      %dma_start3A_72 = arith.constant 0 : i32
      %dma_start3A_73 = arith.constant 0 : i32
      %dma_start3A_74 = tpu.memref_slice %arg7[%dma_start3A_72, %dma_start3A_73] : memref<360x80xf32, #tpu.memory_space<vmem>> -> memref<272x80xf32, #tpu.memory_space<vmem>>
      tpu.enqueue_dma source(%dma_start3A_74 : memref<272x80xf32, #tpu.memory_space<vmem>>) target(%dma_start3A_71 : memref<272x80xf32, #tpu.memory_space<vmem_shared>>) target_semaphore(%run_scoped3A_64 : memref<!tpu.dma_semaphore, #tpu.memory_space<semaphore_mem>>)
      %dma_wait3A_75 = arith.constant 0 : i32
      %dma_wait3A_76 = arith.constant 0 : i32
      %dma_wait3A_77 = tpu.memref_slice %arg7[%dma_wait3A_75, %dma_wait3A_76] : memref<360x80xf32, #tpu.memory_space<vmem>> -> memref<272x80xf32, #tpu.memory_space<vmem>>
      %dma_wait3A_78 = arith.constant 0 : i32
      %dma_wait3A_79 = tpu.memref_slice %arg9[%add3A_11, %dma_wait3A_78] : memref<10112x80xf32, #tpu.memory_space<vmem_shared>> -> memref<272x80xf32, #tpu.memory_space<vmem_shared>>
      %dma_wait3A_80 = arith.constant 0 : i32
      %dma_wait3A_81 = tpu.memref_slice %arg9[%add3A_11, %dma_wait3A_80] : memref<10112x80xf32, #tpu.memory_space<vmem_shared>> -> memref<272x80xf32, #tpu.memory_space<vmem_shared>>
      %dma_wait3A_82 = arith.constant 0 : i32
      %dma_wait3A_83 = arith.constant 0 : i32
      %dma_wait3A_84 = tpu.memref_slice %arg7[%dma_wait3A_82, %dma_wait3A_83] : memref<360x80xf32, #tpu.memory_space<vmem>> -> memref<272x80xf32, #tpu.memory_space<vmem>>
      tpu.wait_dma2 semaphore(%run_scoped3A_64 : memref<!tpu.dma_semaphore, #tpu.memory_space<semaphore_mem>>) src(%dma_wait3A_84 : memref<272x80xf32, #tpu.memory_space<vmem>>) dst(%dma_wait3A_81 : memref<272x80xf32, #tpu.memory_space<vmem_shared>>)
      tpu.yield
    }) : () -> ()
    %mul3A_12 = arith.constant 10000 : i32
    %mul3A_13 = arith.muli %add3A, %mul3A_12 : i32
    %run_scoped3A = arith.constant 0 : i32
    "tpu.region"() ({
      %run_scoped3A_64 = tpu.sem_alloc : memref<!tpu.dma_semaphore, #tpu.memory_space<semaphore_mem>>
      %dma_start3A_65 = tpu.memref_slice %arg3[%run_scoped3A, %mul3A_13] : memref<2x320000xi32, #tpu.memory_space<hbm>> -> memref<1x10000xi32, #tpu.memory_space<hbm>>
      %dma_start3A_66 = tpu.memref_squeeze %dma_start3A_65 : memref<1x10000xi32, #tpu.memory_space<hbm>> -> memref<10000xi32, #tpu.memory_space<hbm>>
      %dma_start3A_67 = tpu.memref_slice %arg3[%run_scoped3A, %mul3A_13] : memref<2x320000xi32, #tpu.memory_space<hbm>> -> memref<1x10000xi32, #tpu.memory_space<hbm>>
      %dma_start3A_68 = tpu.memref_squeeze %dma_start3A_67 : memref<1x10000xi32, #tpu.memory_space<hbm>> -> memref<10000xi32, #tpu.memory_space<hbm>>
      tpu.enqueue_dma source(%dma_start3A_68 : memref<10000xi32, #tpu.memory_space<hbm>>) target(%arg5 : memref<10000xi32, #tpu.memory_space<vmem>>) target_semaphore(%run_scoped3A_64 : memref<!tpu.dma_semaphore, #tpu.memory_space<semaphore_mem>>)
      %dma_wait3A_69 = tpu.memref_slice %arg3[%run_scoped3A, %mul3A_13] : memref<2x320000xi32, #tpu.memory_space<hbm>> -> memref<1x10000xi32, #tpu.memory_space<hbm>>
      %dma_wait3A_70 = tpu.memref_squeeze %dma_wait3A_69 : memref<1x10000xi32, #tpu.memory_space<hbm>> -> memref<10000xi32, #tpu.memory_space<hbm>>
      %dma_wait3A_71 = tpu.memref_slice %arg3[%run_scoped3A, %mul3A_13] : memref<2x320000xi32, #tpu.memory_space<hbm>> -> memref<1x10000xi32, #tpu.memory_space<hbm>>
      %dma_wait3A_72 = tpu.memref_squeeze %dma_wait3A_71 : memref<1x10000xi32, #tpu.memory_space<hbm>> -> memref<10000xi32, #tpu.memory_space<hbm>>
      tpu.wait_dma2 semaphore(%run_scoped3A_64 : memref<!tpu.dma_semaphore, #tpu.memory_space<semaphore_mem>>) src(%dma_wait3A_72 : memref<10000xi32, #tpu.memory_space<hbm>>) dst(%arg5 : memref<10000xi32, #tpu.memory_space<vmem>>)
      tpu.yield
    }) : () -> ()
    %mul3A_14 = arith.constant 10000 : i32
    %mul3A_15 = arith.muli %add3A, %mul3A_14 : i32
    %run_scoped3A_16 = arith.constant 1 : i32
    "tpu.region"() ({
      %run_scoped3A_64 = tpu.sem_alloc : memref<!tpu.dma_semaphore, #tpu.memory_space<semaphore_mem>>
      %dma_start3A_65 = tpu.memref_slice %arg3[%run_scoped3A_16, %mul3A_15] : memref<2x320000xi32, #tpu.memory_space<hbm>> -> memref<1x10000xi32, #tpu.memory_space<hbm>>
      %dma_start3A_66 = tpu.memref_squeeze %dma_start3A_65 : memref<1x10000xi32, #tpu.memory_space<hbm>> -> memref<10000xi32, #tpu.memory_space<hbm>>
      %dma_start3A_67 = tpu.memref_slice %arg3[%run_scoped3A_16, %mul3A_15] : memref<2x320000xi32, #tpu.memory_space<hbm>> -> memref<1x10000xi32, #tpu.memory_space<hbm>>
      %dma_start3A_68 = tpu.memref_squeeze %dma_start3A_67 : memref<1x10000xi32, #tpu.memory_space<hbm>> -> memref<10000xi32, #tpu.memory_space<hbm>>
      tpu.enqueue_dma source(%dma_start3A_68 : memref<10000xi32, #tpu.memory_space<hbm>>) target(%arg6 : memref<10000xi32, #tpu.memory_space<vmem>>) target_semaphore(%run_scoped3A_64 : memref<!tpu.dma_semaphore, #tpu.memory_space<semaphore_mem>>)
      %dma_wait3A_69 = tpu.memref_slice %arg3[%run_scoped3A_16, %mul3A_15] : memref<2x320000xi32, #tpu.memory_space<hbm>> -> memref<1x10000xi32, #tpu.memory_space<hbm>>
      %dma_wait3A_70 = tpu.memref_squeeze %dma_wait3A_69 : memref<1x10000xi32, #tpu.memory_space<hbm>> -> memref<10000xi32, #tpu.memory_space<hbm>>
      %dma_wait3A_71 = tpu.memref_slice %arg3[%run_scoped3A_16, %mul3A_15] : memref<2x320000xi32, #tpu.memory_space<hbm>> -> memref<1x10000xi32, #tpu.memory_space<hbm>>
      %dma_wait3A_72 = tpu.memref_squeeze %dma_wait3A_71 : memref<1x10000xi32, #tpu.memory_space<hbm>> -> memref<10000xi32, #tpu.memory_space<hbm>>
      tpu.wait_dma2 semaphore(%run_scoped3A_64 : memref<!tpu.dma_semaphore, #tpu.memory_space<semaphore_mem>>) src(%dma_wait3A_72 : memref<10000xi32, #tpu.memory_space<hbm>>) dst(%arg6 : memref<10000xi32, #tpu.memory_space<vmem>>)
      tpu.yield
    }) : () -> ()
    %barrier3A = arith.constant 0 : index
    tpu.barrier barrier_id(%barrier3A)
    %dma_start3A = arith.constant 0 : i32
    %dma_start3A_17 = tpu.memref_slice %arg5[%dma_start3A] : memref<10000xi32, #tpu.memory_space<vmem>> -> memref<360xi32, #tpu.memory_space<vmem>>
    %dma_start3A_18 = arith.constant 0 : i32
    %dma_start3A_19 = arith.constant 0 : i32
    %dma_start3A_20 = tpu.memref_slice %arg2[%dma_start3A_18, %dma_start3A_19] : memref<10112x80xf32, #tpu.memory_space<hbm>> -> memref<10112x80xf32, #tpu.memory_space<hbm>>
    tpu.enqueue_indirect_dma source(%dma_start3A_20 : memref<10112x80xf32, #tpu.memory_space<hbm>>) target(%arg7 : memref<360x80xf32, #tpu.memory_space<vmem>>) offsets(%dma_start3A_17 : memref<360xi32, #tpu.memory_space<vmem>>) semaphore(%arg10 : memref<!tpu.dma_semaphore, #tpu.memory_space<semaphore_mem>>)
    %dma_start3A_21 = arith.constant 360 : i32
    %dma_start3A_22 = tpu.memref_slice %arg5[%dma_start3A_21] : memref<10000xi32, #tpu.memory_space<vmem>> -> memref<360xi32, #tpu.memory_space<vmem>>
    %dma_start3A_23 = arith.constant 0 : i32
    %dma_start3A_24 = arith.constant 0 : i32
    %dma_start3A_25 = tpu.memref_slice %arg2[%dma_start3A_23, %dma_start3A_24] : memref<10112x80xf32, #tpu.memory_space<hbm>> -> memref<10112x80xf32, #tpu.memory_space<hbm>>
    tpu.enqueue_indirect_dma source(%dma_start3A_25 : memref<10112x80xf32, #tpu.memory_space<hbm>>) target(%arg8 : memref<360x80xf32, #tpu.memory_space<vmem>>) offsets(%dma_start3A_22 : memref<360xi32, #tpu.memory_space<vmem>>) semaphore(%arg11 : memref<!tpu.dma_semaphore, #tpu.memory_space<semaphore_mem>>)
    %scan3A_26 = arith.constant 0 : i32
    %scan3A_27 = arith.constant 0 : i32
    %scan3A_28 = arith.constant 13 : i32
    %scan3A_29 = arith.addi %scan3A_27, %scan3A_28 : i32
    %scan3A_30 = arith.constant 1 : i32
    scf.for %scan3A_64 = %scan3A_27 to %scan3A_29 step %scan3A_30  : i32 {
      %mul3A_65 = arith.constant 2 : i32
      %mul3A_66 = arith.muli %mul3A_65, %scan3A_64 : i32
      %add3A_67 = arith.constant 0 : i32
      %add3A_68 = arith.addi %mul3A_66, %add3A_67 : i32
      %mul3A_69 = arith.constant 360 : i32
      %mul3A_70 = arith.muli %add3A_68, %mul3A_69 : i32
      %dma_wait3A_71 = tpu.memref_slice %arg5[%mul3A_70] : memref<10000xi32, #tpu.memory_space<vmem>> -> memref<360xi32, #tpu.memory_space<vmem>>
      %dma_wait3A_72 = arith.constant 0 : i32
      %dma_wait3A_73 = arith.constant 0 : i32
      %dma_wait3A_74 = tpu.memref_slice %arg2[%dma_wait3A_72, %dma_wait3A_73] : memref<10112x80xf32, #tpu.memory_space<hbm>> -> memref<10112x80xf32, #tpu.memory_space<hbm>>
      tpu.wait_indirect_dma semaphore(%arg10 : memref<!tpu.dma_semaphore, #tpu.memory_space<semaphore_mem>>) src(%dma_wait3A_74 : memref<10112x80xf32, #tpu.memory_space<hbm>>) dst(%arg7 : memref<360x80xf32, #tpu.memory_space<vmem>>)
      %mul3A_75 = arith.constant 360 : i32
      %mul3A_76 = arith.muli %add3A_68, %mul3A_75 : i32
      %dma_start3A_77 = tpu.memref_slice %arg6[%mul3A_76] : memref<10000xi32, #tpu.memory_space<vmem>> -> memref<360xi32, #tpu.memory_space<vmem>>
      %dma_start3A_78 = arith.constant 0 : i32
      %dma_start3A_79 = arith.constant 0 : i32
      %dma_start3A_80 = tpu.memref_slice %arg9[%dma_start3A_78, %dma_start3A_79] : memref<10112x80xf32, #tpu.memory_space<vmem_shared>> -> memref<10112x80xf32, #tpu.memory_space<vmem_shared>>
      tpu.enqueue_indirect_dma source(%arg7 : memref<360x80xf32, #tpu.memory_space<vmem>>) target(%dma_start3A_80 : memref<10112x80xf32, #tpu.memory_space<vmem_shared>>) offsets(%dma_start3A_77 : memref<360xi32, #tpu.memory_space<vmem>>) semaphore(%arg12 : memref<!tpu.dma_semaphore, #tpu.memory_space<semaphore_mem>>) {add = true}
      %add3A_81 = arith.constant 1 : i32
      %add3A_82 = arith.addi %mul3A_66, %add3A_81 : i32
      %mul3A_83 = arith.constant 360 : i32
      %mul3A_84 = arith.muli %add3A_82, %mul3A_83 : i32
      %dma_wait3A_85 = tpu.memref_slice %arg5[%mul3A_84] : memref<10000xi32, #tpu.memory_space<vmem>> -> memref<360xi32, #tpu.memory_space<vmem>>
      %dma_wait3A_86 = arith.constant 0 : i32
      %dma_wait3A_87 = arith.constant 0 : i32
      %dma_wait3A_88 = tpu.memref_slice %arg2[%dma_wait3A_86, %dma_wait3A_87] : memref<10112x80xf32, #tpu.memory_space<hbm>> -> memref<10112x80xf32, #tpu.memory_space<hbm>>
      tpu.wait_indirect_dma semaphore(%arg11 : memref<!tpu.dma_semaphore, #tpu.memory_space<semaphore_mem>>) src(%dma_wait3A_88 : memref<10112x80xf32, #tpu.memory_space<hbm>>) dst(%arg8 : memref<360x80xf32, #tpu.memory_space<vmem>>)
      %mul3A_89 = arith.constant 360 : i32
      %mul3A_90 = arith.muli %add3A_82, %mul3A_89 : i32
      %dma_start3A_91 = tpu.memref_slice %arg6[%mul3A_90] : memref<10000xi32, #tpu.memory_space<vmem>> -> memref<360xi32, #tpu.memory_space<vmem>>
      %dma_start3A_92 = arith.constant 0 : i32
      %dma_start3A_93 = arith.constant 0 : i32
      %dma_start3A_94 = tpu.memref_slice %arg9[%dma_start3A_92, %dma_start3A_93] : memref<10112x80xf32, #tpu.memory_space<vmem_shared>> -> memref<10112x80xf32, #tpu.memory_space<vmem_shared>>
      tpu.enqueue_indirect_dma source(%arg8 : memref<360x80xf32, #tpu.memory_space<vmem>>) target(%dma_start3A_94 : memref<10112x80xf32, #tpu.memory_space<vmem_shared>>) offsets(%dma_start3A_91 : memref<360xi32, #tpu.memory_space<vmem>>) semaphore(%arg13 : memref<!tpu.dma_semaphore, #tpu.memory_space<semaphore_mem>>) {add = true}
      %add3A_95 = arith.constant 0 : i32
      %add3A_96 = arith.addi %mul3A_66, %add3A_95 : i32
      %mul3A_97 = arith.constant 360 : i32
      %mul3A_98 = arith.muli %add3A_96, %mul3A_97 : i32
      %dma_wait3A_99 = tpu.memref_slice %arg6[%mul3A_98] : memref<10000xi32, #tpu.memory_space<vmem>> -> memref<360xi32, #tpu.memory_space<vmem>>
      %dma_wait3A_100 = arith.constant 0 : i32
      %dma_wait3A_101 = arith.constant 0 : i32
      %dma_wait3A_102 = tpu.memref_slice %arg9[%dma_wait3A_100, %dma_wait3A_101] : memref<10112x80xf32, #tpu.memory_space<vmem_shared>> -> memref<10112x80xf32, #tpu.memory_space<vmem_shared>>
      tpu.wait_indirect_dma semaphore(%arg12 : memref<!tpu.dma_semaphore, #tpu.memory_space<semaphore_mem>>) src(%arg7 : memref<360x80xf32, #tpu.memory_space<vmem>>) dst(%dma_wait3A_102 : memref<10112x80xf32, #tpu.memory_space<vmem_shared>>)
      %lt3A = arith.constant 12 : i32
      %lt3A_103 = arith.cmpi slt, %scan3A_64, %lt3A : i32
      %convert_element_type3A = arith.extui %lt3A_103 : i1 to i32
      %cond3A = arith.constant 0 : i32
      %cond3A_104 = arith.cmpi ne, %convert_element_type3A, %cond3A : i32
      scf.if %cond3A_104 {
        %add3A_118 = arith.constant 2 : i32
        %add3A_119 = arith.addi %add3A_96, %add3A_118 : i32
        %mul3A_120 = arith.constant 360 : i32
        %mul3A_121 = arith.muli %add3A_119, %mul3A_120 : i32
        %dma_start3A_122 = tpu.memref_slice %arg5[%mul3A_121] : memref<10000xi32, #tpu.memory_space<vmem>> -> memref<360xi32, #tpu.memory_space<vmem>>
        %dma_start3A_123 = arith.constant 0 : i32
        %dma_start3A_124 = arith.constant 0 : i32
        %dma_start3A_125 = tpu.memref_slice %arg2[%dma_start3A_123, %dma_start3A_124] : memref<10112x80xf32, #tpu.memory_space<hbm>> -> memref<10112x80xf32, #tpu.memory_space<hbm>>
        tpu.enqueue_indirect_dma source(%dma_start3A_125 : memref<10112x80xf32, #tpu.memory_space<hbm>>) target(%arg7 : memref<360x80xf32, #tpu.memory_space<vmem>>) offsets(%dma_start3A_122 : memref<360xi32, #tpu.memory_space<vmem>>) semaphore(%arg10 : memref<!tpu.dma_semaphore, #tpu.memory_space<semaphore_mem>>)
      } else {
      }
      %add3A_105 = arith.constant 1 : i32
      %add3A_106 = arith.addi %mul3A_66, %add3A_105 : i32
      %mul3A_107 = arith.constant 360 : i32
      %mul3A_108 = arith.muli %add3A_106, %mul3A_107 : i32
      %dma_wait3A_109 = tpu.memref_slice %arg6[%mul3A_108] : memref<10000xi32, #tpu.memory_space<vmem>> -> memref<360xi32, #tpu.memory_space<vmem>>
      %dma_wait3A_110 = arith.constant 0 : i32
      %dma_wait3A_111 = arith.constant 0 : i32
      %dma_wait3A_112 = tpu.memref_slice %arg9[%dma_wait3A_110, %dma_wait3A_111] : memref<10112x80xf32, #tpu.memory_space<vmem_shared>> -> memref<10112x80xf32, #tpu.memory_space<vmem_shared>>
      tpu.wait_indirect_dma semaphore(%arg13 : memref<!tpu.dma_semaphore, #tpu.memory_space<semaphore_mem>>) src(%arg8 : memref<360x80xf32, #tpu.memory_space<vmem>>) dst(%dma_wait3A_112 : memref<10112x80xf32, #tpu.memory_space<vmem_shared>>)
      %lt3A_113 = arith.constant 12 : i32
      %lt3A_114 = arith.cmpi slt, %scan3A_64, %lt3A_113 : i32
      %convert_element_type3A_115 = arith.extui %lt3A_114 : i1 to i32
      %cond3A_116 = arith.constant 0 : i32
      %cond3A_117 = arith.cmpi ne, %convert_element_type3A_115, %cond3A_116 : i32
      scf.if %cond3A_117 {
        %add3A_118 = arith.constant 2 : i32
        %add3A_119 = arith.addi %add3A_106, %add3A_118 : i32
        %mul3A_120 = arith.constant 360 : i32
        %mul3A_121 = arith.muli %add3A_119, %mul3A_120 : i32
        %dma_start3A_122 = tpu.memref_slice %arg5[%mul3A_121] : memref<10000xi32, #tpu.memory_space<vmem>> -> memref<360xi32, #tpu.memory_space<vmem>>
        %dma_start3A_123 = arith.constant 0 : i32
        %dma_start3A_124 = arith.constant 0 : i32
        %dma_start3A_125 = tpu.memref_slice %arg2[%dma_start3A_123, %dma_start3A_124] : memref<10112x80xf32, #tpu.memory_space<hbm>> -> memref<10112x80xf32, #tpu.memory_space<hbm>>
        tpu.enqueue_indirect_dma source(%dma_start3A_125 : memref<10112x80xf32, #tpu.memory_space<hbm>>) target(%arg8 : memref<360x80xf32, #tpu.memory_space<vmem>>) offsets(%dma_start3A_122 : memref<360xi32, #tpu.memory_space<vmem>>) semaphore(%arg11 : memref<!tpu.dma_semaphore, #tpu.memory_space<semaphore_mem>>)
      } else {
      }
    }
    %scan3A_31 = arith.constant 13 : i32
    %dma_start3A_32 = arith.constant 0 : i32
    %dma_start3A_33 = arith.constant 0 : i32
    %dma_start3A_34 = tpu.memref_slice %arg7[%dma_start3A_32, %dma_start3A_33] : memref<360x80xf32, #tpu.memory_space<vmem>> -> memref<360x80xf32, #tpu.memory_space<vmem>>
    %dma_start3A_35 = arith.constant 9360 : i32
    %dma_start3A_36 = tpu.memref_slice %arg5[%dma_start3A_35] : memref<10000xi32, #tpu.memory_space<vmem>> -> memref<360xi32, #tpu.memory_space<vmem>>
    %dma_start3A_37 = arith.constant 0 : i32
    %dma_start3A_38 = arith.constant 0 : i32
    %dma_start3A_39 = tpu.memref_slice %arg2[%dma_start3A_37, %dma_start3A_38] : memref<10112x80xf32, #tpu.memory_space<hbm>> -> memref<10112x80xf32, #tpu.memory_space<hbm>>
    tpu.enqueue_indirect_dma source(%dma_start3A_39 : memref<10112x80xf32, #tpu.memory_space<hbm>>) target(%dma_start3A_34 : memref<360x80xf32, #tpu.memory_space<vmem>>) offsets(%dma_start3A_36 : memref<360xi32, #tpu.memory_space<vmem>>) semaphore(%arg10 : memref<!tpu.dma_semaphore, #tpu.memory_space<semaphore_mem>>)
    %dma_wait3A = arith.constant 0 : i32
    %dma_wait3A_40 = arith.constant 0 : i32
    %dma_wait3A_41 = tpu.memref_slice %arg7[%dma_wait3A, %dma_wait3A_40] : memref<360x80xf32, #tpu.memory_space<vmem>> -> memref<360x80xf32, #tpu.memory_space<vmem>>
    %dma_wait3A_42 = arith.constant 9360 : i32
    %dma_wait3A_43 = tpu.memref_slice %arg5[%dma_wait3A_42] : memref<10000xi32, #tpu.memory_space<vmem>> -> memref<360xi32, #tpu.memory_space<vmem>>
    %dma_wait3A_44 = arith.constant 0 : i32
    %dma_wait3A_45 = arith.constant 0 : i32
    %dma_wait3A_46 = tpu.memref_slice %arg2[%dma_wait3A_44, %dma_wait3A_45] : memref<10112x80xf32, #tpu.memory_space<hbm>> -> memref<10112x80xf32, #tpu.memory_space<hbm>>
    tpu.wait_indirect_dma semaphore(%arg10 : memref<!tpu.dma_semaphore, #tpu.memory_space<semaphore_mem>>) src(%dma_wait3A_46 : memref<10112x80xf32, #tpu.memory_space<hbm>>) dst(%dma_wait3A_41 : memref<360x80xf32, #tpu.memory_space<vmem>>)
    "tpu.region"() ({
      %run_scoped3A_64 = tpu.sem_alloc : memref<!tpu.dma_semaphore, #tpu.memory_space<semaphore_mem>>
      %dma_start3A_65 = arith.constant 0 : i32
      %dma_start3A_66 = arith.constant 0 : i32
      %dma_start3A_67 = tpu.memref_slice %arg7[%dma_start3A_65, %dma_start3A_66] : memref<360x80xf32, #tpu.memory_space<vmem>> -> memref<360x80xf32, #tpu.memory_space<vmem>>
      %dma_start3A_68 = arith.constant 9360 : i32
      %dma_start3A_69 = tpu.memref_slice %arg6[%dma_start3A_68] : memref<10000xi32, #tpu.memory_space<vmem>> -> memref<360xi32, #tpu.memory_space<vmem>>
      %dma_start3A_70 = arith.constant 0 : i32
      %dma_start3A_71 = arith.constant 0 : i32
      %dma_start3A_72 = tpu.memref_slice %arg9[%dma_start3A_70, %dma_start3A_71] : memref<10112x80xf32, #tpu.memory_space<vmem_shared>> -> memref<10112x80xf32, #tpu.memory_space<vmem_shared>>
      tpu.enqueue_indirect_dma source(%dma_start3A_67 : memref<360x80xf32, #tpu.memory_space<vmem>>) target(%dma_start3A_72 : memref<10112x80xf32, #tpu.memory_space<vmem_shared>>) offsets(%dma_start3A_69 : memref<360xi32, #tpu.memory_space<vmem>>) semaphore(%run_scoped3A_64 : memref<!tpu.dma_semaphore, #tpu.memory_space<semaphore_mem>>) {add = true}
      %dma_wait3A_73 = arith.constant 0 : i32
      %dma_wait3A_74 = arith.constant 0 : i32
      %dma_wait3A_75 = tpu.memref_slice %arg7[%dma_wait3A_73, %dma_wait3A_74] : memref<360x80xf32, #tpu.memory_space<vmem>> -> memref<360x80xf32, #tpu.memory_space<vmem>>
      %dma_wait3A_76 = arith.constant 9360 : i32
      %dma_wait3A_77 = tpu.memref_slice %arg6[%dma_wait3A_76] : memref<10000xi32, #tpu.memory_space<vmem>> -> memref<360xi32, #tpu.memory_space<vmem>>
      %dma_wait3A_78 = arith.constant 0 : i32
      %dma_wait3A_79 = arith.constant 0 : i32
      %dma_wait3A_80 = tpu.memref_slice %arg9[%dma_wait3A_78, %dma_wait3A_79] : memref<10112x80xf32, #tpu.memory_space<vmem_shared>> -> memref<10112x80xf32, #tpu.memory_space<vmem_shared>>
      tpu.wait_indirect_dma semaphore(%run_scoped3A_64 : memref<!tpu.dma_semaphore, #tpu.memory_space<semaphore_mem>>) src(%dma_wait3A_75 : memref<360x80xf32, #tpu.memory_space<vmem>>) dst(%dma_wait3A_80 : memref<10112x80xf32, #tpu.memory_space<vmem_shared>>)
      tpu.yield
    }) : () -> ()
    %dma_start3A_47 = arith.constant 0 : i32
    %dma_start3A_48 = arith.constant 0 : i32
    %dma_start3A_49 = tpu.memref_slice %arg7[%dma_start3A_47, %dma_start3A_48] : memref<360x80xf32, #tpu.memory_space<vmem>> -> memref<280x80xf32, #tpu.memory_space<vmem>>
    %dma_start3A_50 = arith.constant 9720 : i32
    %dma_start3A_51 = tpu.memref_slice %arg5[%dma_start3A_50] : memref<10000xi32, #tpu.memory_space<vmem>> -> memref<280xi32, #tpu.memory_space<vmem>>
    %dma_start3A_52 = arith.constant 0 : i32
    %dma_start3A_53 = arith.constant 0 : i32
    %dma_start3A_54 = tpu.memref_slice %arg2[%dma_start3A_52, %dma_start3A_53] : memref<10112x80xf32, #tpu.memory_space<hbm>> -> memref<10112x80xf32, #tpu.memory_space<hbm>>
    tpu.enqueue_indirect_dma source(%dma_start3A_54 : memref<10112x80xf32, #tpu.memory_space<hbm>>) target(%dma_start3A_49 : memref<280x80xf32, #tpu.memory_space<vmem>>) offsets(%dma_start3A_51 : memref<280xi32, #tpu.memory_space<vmem>>) semaphore(%arg10 : memref<!tpu.dma_semaphore, #tpu.memory_space<semaphore_mem>>)
    %dma_wait3A_55 = arith.constant 0 : i32
    %dma_wait3A_56 = arith.constant 0 : i32
    %dma_wait3A_57 = tpu.memref_slice %arg7[%dma_wait3A_55, %dma_wait3A_56] : memref<360x80xf32, #tpu.memory_space<vmem>> -> memref<280x80xf32, #tpu.memory_space<vmem>>
    %dma_wait3A_58 = arith.constant 9720 : i32
    %dma_wait3A_59 = tpu.memref_slice %arg5[%dma_wait3A_58] : memref<10000xi32, #tpu.memory_space<vmem>> -> memref<280xi32, #tpu.memory_space<vmem>>
    %dma_wait3A_60 = arith.constant 0 : i32
    %dma_wait3A_61 = arith.constant 0 : i32
    %dma_wait3A_62 = tpu.memref_slice %arg2[%dma_wait3A_60, %dma_wait3A_61] : memref<10112x80xf32, #tpu.memory_space<hbm>> -> memref<10112x80xf32, #tpu.memory_space<hbm>>
    tpu.wait_indirect_dma semaphore(%arg10 : memref<!tpu.dma_semaphore, #tpu.memory_space<semaphore_mem>>) src(%dma_wait3A_62 : memref<10112x80xf32, #tpu.memory_space<hbm>>) dst(%dma_wait3A_57 : memref<280x80xf32, #tpu.memory_space<vmem>>)
    "tpu.region"() ({
      %run_scoped3A_64 = tpu.sem_alloc : memref<!tpu.dma_semaphore, #tpu.memory_space<semaphore_mem>>
      %dma_start3A_65 = arith.constant 0 : i32
      %dma_start3A_66 = arith.constant 0 : i32
      %dma_start3A_67 = tpu.memref_slice %arg7[%dma_start3A_65, %dma_start3A_66] : memref<360x80xf32, #tpu.memory_space<vmem>> -> memref<280x80xf32, #tpu.memory_space<vmem>>
      %dma_start3A_68 = arith.constant 9720 : i32
      %dma_start3A_69 = tpu.memref_slice %arg6[%dma_start3A_68] : memref<10000xi32, #tpu.memory_space<vmem>> -> memref<280xi32, #tpu.memory_space<vmem>>
      %dma_start3A_70 = arith.constant 0 : i32
      %dma_start3A_71 = arith.constant 0 : i32
      %dma_start3A_72 = tpu.memref_slice %arg9[%dma_start3A_70, %dma_start3A_71] : memref<10112x80xf32, #tpu.memory_space<vmem_shared>> -> memref<10112x80xf32, #tpu.memory_space<vmem_shared>>
      tpu.enqueue_indirect_dma source(%dma_start3A_67 : memref<280x80xf32, #tpu.memory_space<vmem>>) target(%dma_start3A_72 : memref<10112x80xf32, #tpu.memory_space<vmem_shared>>) offsets(%dma_start3A_69 : memref<280xi32, #tpu.memory_space<vmem>>) semaphore(%run_scoped3A_64 : memref<!tpu.dma_semaphore, #tpu.memory_space<semaphore_mem>>) {add = true}
      %dma_wait3A_73 = arith.constant 0 : i32
      %dma_wait3A_74 = arith.constant 0 : i32
      %dma_wait3A_75 = tpu.memref_slice %arg7[%dma_wait3A_73, %dma_wait3A_74] : memref<360x80xf32, #tpu.memory_space<vmem>> -> memref<280x80xf32, #tpu.memory_space<vmem>>
      %dma_wait3A_76 = arith.constant 9720 : i32
      %dma_wait3A_77 = tpu.memref_slice %arg6[%dma_wait3A_76] : memref<10000xi32, #tpu.memory_space<vmem>> -> memref<280xi32, #tpu.memory_space<vmem>>
      %dma_wait3A_78 = arith.constant 0 : i32
      %dma_wait3A_79 = arith.constant 0 : i32
      %dma_wait3A_80 = tpu.memref_slice %arg9[%dma_wait3A_78, %dma_wait3A_79] : memref<10112x80xf32, #tpu.memory_space<vmem_shared>> -> memref<10112x80xf32, #tpu.memory_space<vmem_shared>>
      tpu.wait_indirect_dma semaphore(%run_scoped3A_64 : memref<!tpu.dma_semaphore, #tpu.memory_space<semaphore_mem>>) src(%dma_wait3A_75 : memref<280x80xf32, #tpu.memory_space<vmem>>) dst(%dma_wait3A_80 : memref<10112x80xf32, #tpu.memory_space<vmem_shared>>)
      tpu.yield
    }) : () -> ()
    %barrier3A_63 = arith.constant 0 : index
    tpu.barrier barrier_id(%barrier3A_63)
    "tpu.region"() ({
      %run_scoped3A_64 = tpu.sem_alloc : memref<!tpu.dma_semaphore, #tpu.memory_space<semaphore_mem>>
      %dma_start3A_65 = arith.constant 0 : i32
      %dma_start3A_66 = tpu.memref_slice %arg4[%arg0, %mul3A_7, %dma_start3A_65] : memref<2x10112x80xf32, #tpu.memory_space<hbm>> -> memref<1x632x80xf32, #tpu.memory_space<hbm>>
      %dma_start3A_67 = tpu.memref_squeeze %dma_start3A_66 : memref<1x632x80xf32, #tpu.memory_space<hbm>> -> memref<632x80xf32, #tpu.memory_space<hbm>>
      %dma_start3A_68 = arith.constant 0 : i32
      %dma_start3A_69 = tpu.memref_slice %arg9[%mul3A_7, %dma_start3A_68] : memref<10112x80xf32, #tpu.memory_space<vmem_shared>> -> memref<632x80xf32, #tpu.memory_space<vmem_shared>>
      tpu.enqueue_dma source(%dma_start3A_69 : memref<632x80xf32, #tpu.memory_space<vmem_shared>>) target(%dma_start3A_67 : memref<632x80xf32, #tpu.memory_space<hbm>>) target_semaphore(%run_scoped3A_64 : memref<!tpu.dma_semaphore, #tpu.memory_space<semaphore_mem>>)
      %dma_wait3A_70 = arith.constant 0 : i32
      %dma_wait3A_71 = tpu.memref_slice %arg4[%arg0, %mul3A_7, %dma_wait3A_70] : memref<2x10112x80xf32, #tpu.memory_space<hbm>> -> memref<1x632x80xf32, #tpu.memory_space<hbm>>
      %dma_wait3A_72 = tpu.memref_squeeze %dma_wait3A_71 : memref<1x632x80xf32, #tpu.memory_space<hbm>> -> memref<632x80xf32, #tpu.memory_space<hbm>>
      %dma_wait3A_73 = arith.constant 0 : i32
      %dma_wait3A_74 = tpu.memref_slice %arg9[%mul3A_7, %dma_wait3A_73] : memref<10112x80xf32, #tpu.memory_space<vmem_shared>> -> memref<632x80xf32, #tpu.memory_space<vmem_shared>>
      tpu.wait_dma2 semaphore(%run_scoped3A_64 : memref<!tpu.dma_semaphore, #tpu.memory_space<semaphore_mem>>) src(%dma_wait3A_74 : memref<632x80xf32, #tpu.memory_space<vmem_shared>>) dst(%dma_wait3A_72 : memref<632x80xf32, #tpu.memory_space<hbm>>)
      tpu.yield
    }) : () -> ()
    return
  }
}

#map = affine_map<(d0, d1) -> (0, 0)>
#map1 = affine_map<(d0, d1) -> (0, 0, 0)>
module attributes {stable_mosaic.version = 14 : i64} {
  func.func @k(%arg0: i32, %arg1: i32, %arg2: memref<10112x16xf32, #tpu.memory_space<hbm>>, %arg3: memref<2x320000xi32, #tpu.memory_space<hbm>>, %arg4: memref<2x10112x16xf32, #tpu.memory_space<hbm>>, %arg5: memref<10000xi32, #tpu.memory_space<vmem>>, %arg6: memref<10000xi32, #tpu.memory_space<vmem>>, %arg7: memref<360x16xf32, #tpu.memory_space<vmem>>, %arg8: memref<360x16xf32, #tpu.memory_space<vmem>>, %arg9: memref<10112x16xf32, #tpu.memory_space<vmem_shared>>, %arg10: memref<!tpu.dma_semaphore, #tpu.memory_space<semaphore_mem>>, %arg11: memref<!tpu.dma_semaphore, #tpu.memory_space<semaphore_mem>>, %arg12: memref<!tpu.dma_semaphore, #tpu.memory_space<semaphore_mem>>, %arg13: memref<!tpu.dma_semaphore, #tpu.memory_space<semaphore_mem>>) attributes {dimension_semantics = [#tpu.dimension_semantics<core_parallel>, #tpu.dimension_semantics<subcore_parallel>], iteration_bounds = array<i64: 2, 16>, scalar_prefetch = 0 : i64, scratch_operands = 9 : i64, tpu.core_type = #tpu.core_type<sc_vector_subcore>, window_params = [{transform_indices = #map}, {transform_indices = #map}, {transform_indices = #map1}]} {
    %mul3A = arith.constant 16 : i32
    %mul3A_0 = arith.muli %arg0, %mul3A : i32
    %add3A = arith.addi %mul3A_0, %arg1 : i32
    %scan3A = arith.constant 0 : i32
    %scan3A_1 = arith.constant 0 : i32
    %scan3A_2 = arith.constant 360 : i32
    %scan3A_3 = arith.addi %scan3A_1, %scan3A_2 : i32
    %scan3A_4 = arith.constant 1 : i32
    scf.for %scan3A_64 = %scan3A_1 to %scan3A_3 step %scan3A_4  : i32 {
      %broadcast_in_dim3A = arith.constant 0.000000e+00 : f32
      %broadcast_in_dim3A_65 = vector.broadcast %broadcast_in_dim3A : f32 to vector<16xf32>
      %swap3A = arith.index_cast %scan3A_64 : i32 to index
      %swap3A_66 = arith.constant 0 : index
      %swap3A_67 = tpu.vector_load %arg7[%swap3A, %swap3A_66] {strides = array<i32>} : memref<360x16xf32, #tpu.memory_space<vmem>>, vector<1x16xf32>,
      %swap3A_68 = vector.shape_cast %swap3A_67 : vector<1x16xf32> to vector<16xf32>
      %swap3A_69 = vector.shape_cast %broadcast_in_dim3A_65 : vector<16xf32> to vector<1x16xf32>
      tpu.vector_store %arg7[%swap3A, %swap3A_66], %swap3A_69 {strides = array<i32>} : memref<360x16xf32, #tpu.memory_space<vmem>>, vector<1x16xf32>,
    }
    %scan3A_5 = arith.constant 360 : i32
    %mul3A_6 = arith.constant 632 : i32
    %mul3A_7 = arith.muli %arg1, %mul3A_6 : i32
    %add3A_8 = arith.constant 0 : i32
    %add3A_9 = arith.addi %mul3A_7, %add3A_8 : i32
    "tpu.region"() ({
      %run_scoped3A_64 = tpu.sem_alloc : memref<!tpu.dma_semaphore, #tpu.memory_space<semaphore_mem>>
      %dma_start3A_65 = arith.constant 0 : i32
      %dma_start3A_66 = tpu.memref_slice %arg9[%add3A_9, %dma_start3A_65] : memref<10112x16xf32, #tpu.memory_space<vmem_shared>> -> memref<360x16xf32, #tpu.memory_space<vmem_shared>>
      %dma_start3A_67 = arith.constant 0 : i32
      %dma_start3A_68 = tpu.memref_slice %arg9[%add3A_9, %dma_start3A_67] : memref<10112x16xf32, #tpu.memory_space<vmem_shared>> -> memref<360x16xf32, #tpu.memory_space<vmem_shared>>
      tpu.enqueue_dma source(%arg7 : memref<360x16xf32, #tpu.memory_space<vmem>>) target(%dma_start3A_68 : memref<360x16xf32, #tpu.memory_space<vmem_shared>>) target_semaphore(%run_scoped3A_64 : memref<!tpu.dma_semaphore, #tpu.memory_space<semaphore_mem>>)
      %dma_wait3A_69 = arith.constant 0 : i32
      %dma_wait3A_70 = tpu.memref_slice %arg9[%add3A_9, %dma_wait3A_69] : memref<10112x16xf32, #tpu.memory_space<vmem_shared>> -> memref<360x16xf32, #tpu.memory_space<vmem_shared>>
      %dma_wait3A_71 = arith.constant 0 : i32
      %dma_wait3A_72 = tpu.memref_slice %arg9[%add3A_9, %dma_wait3A_71] : memref<10112x16xf32, #tpu.memory_space<vmem_shared>> -> memref<360x16xf32, #tpu.memory_space<vmem_shared>>
      tpu.wait_dma2 semaphore(%run_scoped3A_64 : memref<!tpu.dma_semaphore, #tpu.memory_space<semaphore_mem>>) src(%arg7 : memref<360x16xf32, #tpu.memory_space<vmem>>) dst(%dma_wait3A_72 : memref<360x16xf32, #tpu.memory_space<vmem_shared>>)
      tpu.yield
    }) : () -> ()
    %add3A_10 = arith.constant 360 : i32
    %add3A_11 = arith.addi %mul3A_7, %add3A_10 : i32
    "tpu.region"() ({
      %run_scoped3A_64 = tpu.sem_alloc : memref<!tpu.dma_semaphore, #tpu.memory_space<semaphore_mem>>
      %dma_start3A_65 = arith.constant 0 : i32
      %dma_start3A_66 = arith.constant 0 : i32
      %dma_start3A_67 = tpu.memref_slice %arg7[%dma_start3A_65, %dma_start3A_66] : memref<360x16xf32, #tpu.memory_space<vmem>> -> memref<272x16xf32, #tpu.memory_space<vmem>>
      %dma_start3A_68 = arith.constant 0 : i32
      %dma_start3A_69 = tpu.memref_slice %arg9[%add3A_11, %dma_start3A_68] : memref<10112x16xf32, #tpu.memory_space<vmem_shared>> -> memref<272x16xf32, #tpu.memory_space<vmem_shared>>
      %dma_start3A_70 = arith.constant 0 : i32
      %dma_start3A_71 = tpu.memref_slice %arg9[%add3A_11, %dma_start3A_70] : memref<10112x16xf32, #tpu.memory_space<vmem_shared>> -> memref<272x16xf32, #tpu.memory_space<vmem_shared>>
      %dma_start3A_72 = arith.constant 0 : i32
      %dma_start3A_73 = arith.constant 0 : i32
      %dma_start3A_74 = tpu.memref_slice %arg7[%dma_start3A_72, %dma_start3A_73] : memref<360x16xf32, #tpu.memory_space<vmem>> -> memref<272x16xf32, #tpu.memory_space<vmem>>
      tpu.enqueue_dma source(%dma_start3A_74 : memref<272x16xf32, #tpu.memory_space<vmem>>) target(%dma_start3A_71 : memref<272x16xf32, #tpu.memory_space<vmem_shared>>) target_semaphore(%run_scoped3A_64 : memref<!tpu.dma_semaphore, #tpu.memory_space<semaphore_mem>>)
      %dma_wait3A_75 = arith.constant 0 : i32
      %dma_wait3A_76 = arith.constant 0 : i32
      %dma_wait3A_77 = tpu.memref_slice %arg7[%dma_wait3A_75, %dma_wait3A_76] : memref<360x16xf32, #tpu.memory_space<vmem>> -> memref<272x16xf32, #tpu.memory_space<vmem>>
      %dma_wait3A_78 = arith.constant 0 : i32
      %dma_wait3A_79 = tpu.memref_slice %arg9[%add3A_11, %dma_wait3A_78] : memref<10112x16xf32, #tpu.memory_space<vmem_shared>> -> memref<272x16xf32, #tpu.memory_space<vmem_shared>>
      %dma_wait3A_80 = arith.constant 0 : i32
      %dma_wait3A_81 = tpu.memref_slice %arg9[%add3A_11, %dma_wait3A_80] : memref<10112x16xf32, #tpu.memory_space<vmem_shared>> -> memref<272x16xf32, #tpu.memory_space<vmem_shared>>
      %dma_wait3A_82 = arith.constant 0 : i32
      %dma_wait3A_83 = arith.constant 0 : i32
      %dma_wait3A_84 = tpu.memref_slice %arg7[%dma_wait3A_82, %dma_wait3A_83] : memref<360x16xf32, #tpu.memory_space<vmem>> -> memref<272x16xf32, #tpu.memory_space<vmem>>
      tpu.wait_dma2 semaphore(%run_scoped3A_64 : memref<!tpu.dma_semaphore, #tpu.memory_space<semaphore_mem>>) src(%dma_wait3A_84 : memref<272x16xf32, #tpu.memory_space<vmem>>) dst(%dma_wait3A_81 : memref<272x16xf32, #tpu.memory_space<vmem_shared>>)
      tpu.yield
    }) : () -> ()
    %mul3A_12 = arith.constant 10000 : i32
    %mul3A_13 = arith.muli %add3A, %mul3A_12 : i32
    %run_scoped3A = arith.constant 0 : i32
    "tpu.region"() ({
      %run_scoped3A_64 = tpu.sem_alloc : memref<!tpu.dma_semaphore, #tpu.memory_space<semaphore_mem>>
      %dma_start3A_65 = tpu.memref_slice %arg3[%run_scoped3A, %mul3A_13] : memref<2x320000xi32, #tpu.memory_space<hbm>> -> memref<1x10000xi32, #tpu.memory_space<hbm>>
      %dma_start3A_66 = tpu.memref_squeeze %dma_start3A_65 : memref<1x10000xi32, #tpu.memory_space<hbm>> -> memref<10000xi32, #tpu.memory_space<hbm>>
      %dma_start3A_67 = tpu.memref_slice %arg3[%run_scoped3A, %mul3A_13] : memref<2x320000xi32, #tpu.memory_space<hbm>> -> memref<1x10000xi32, #tpu.memory_space<hbm>>
      %dma_start3A_68 = tpu.memref_squeeze %dma_start3A_67 : memref<1x10000xi32, #tpu.memory_space<hbm>> -> memref<10000xi32, #tpu.memory_space<hbm>>
      tpu.enqueue_dma source(%dma_start3A_68 : memref<10000xi32, #tpu.memory_space<hbm>>) target(%arg5 : memref<10000xi32, #tpu.memory_space<vmem>>) target_semaphore(%run_scoped3A_64 : memref<!tpu.dma_semaphore, #tpu.memory_space<semaphore_mem>>)
      %dma_wait3A_69 = tpu.memref_slice %arg3[%run_scoped3A, %mul3A_13] : memref<2x320000xi32, #tpu.memory_space<hbm>> -> memref<1x10000xi32, #tpu.memory_space<hbm>>
      %dma_wait3A_70 = tpu.memref_squeeze %dma_wait3A_69 : memref<1x10000xi32, #tpu.memory_space<hbm>> -> memref<10000xi32, #tpu.memory_space<hbm>>
      %dma_wait3A_71 = tpu.memref_slice %arg3[%run_scoped3A, %mul3A_13] : memref<2x320000xi32, #tpu.memory_space<hbm>> -> memref<1x10000xi32, #tpu.memory_space<hbm>>
      %dma_wait3A_72 = tpu.memref_squeeze %dma_wait3A_71 : memref<1x10000xi32, #tpu.memory_space<hbm>> -> memref<10000xi32, #tpu.memory_space<hbm>>
      tpu.wait_dma2 semaphore(%run_scoped3A_64 : memref<!tpu.dma_semaphore, #tpu.memory_space<semaphore_mem>>) src(%dma_wait3A_72 : memref<10000xi32, #tpu.memory_space<hbm>>) dst(%arg5 : memref<10000xi32, #tpu.memory_space<vmem>>)
      tpu.yield
    }) : () -> ()
    %mul3A_14 = arith.constant 10000 : i32
    %mul3A_15 = arith.muli %add3A, %mul3A_14 : i32
    %run_scoped3A_16 = arith.constant 1 : i32
    "tpu.region"() ({
      %run_scoped3A_64 = tpu.sem_alloc : memref<!tpu.dma_semaphore, #tpu.memory_space<semaphore_mem>>
      %dma_start3A_65 = tpu.memref_slice %arg3[%run_scoped3A_16, %mul3A_15] : memref<2x320000xi32, #tpu.memory_space<hbm>> -> memref<1x10000xi32, #tpu.memory_space<hbm>>
      %dma_start3A_66 = tpu.memref_squeeze %dma_start3A_65 : memref<1x10000xi32, #tpu.memory_space<hbm>> -> memref<10000xi32, #tpu.memory_space<hbm>>
      %dma_start3A_67 = tpu.memref_slice %arg3[%run_scoped3A_16, %mul3A_15] : memref<2x320000xi32, #tpu.memory_space<hbm>> -> memref<1x10000xi32, #tpu.memory_space<hbm>>
      %dma_start3A_68 = tpu.memref_squeeze %dma_start3A_67 : memref<1x10000xi32, #tpu.memory_space<hbm>> -> memref<10000xi32, #tpu.memory_space<hbm>>
      tpu.enqueue_dma source(%dma_start3A_68 : memref<10000xi32, #tpu.memory_space<hbm>>) target(%arg6 : memref<10000xi32, #tpu.memory_space<vmem>>) target_semaphore(%run_scoped3A_64 : memref<!tpu.dma_semaphore, #tpu.memory_space<semaphore_mem>>)
      %dma_wait3A_69 = tpu.memref_slice %arg3[%run_scoped3A_16, %mul3A_15] : memref<2x320000xi32, #tpu.memory_space<hbm>> -> memref<1x10000xi32, #tpu.memory_space<hbm>>
      %dma_wait3A_70 = tpu.memref_squeeze %dma_wait3A_69 : memref<1x10000xi32, #tpu.memory_space<hbm>> -> memref<10000xi32, #tpu.memory_space<hbm>>
      %dma_wait3A_71 = tpu.memref_slice %arg3[%run_scoped3A_16, %mul3A_15] : memref<2x320000xi32, #tpu.memory_space<hbm>> -> memref<1x10000xi32, #tpu.memory_space<hbm>>
      %dma_wait3A_72 = tpu.memref_squeeze %dma_wait3A_71 : memref<1x10000xi32, #tpu.memory_space<hbm>> -> memref<10000xi32, #tpu.memory_space<hbm>>
      tpu.wait_dma2 semaphore(%run_scoped3A_64 : memref<!tpu.dma_semaphore, #tpu.memory_space<semaphore_mem>>) src(%dma_wait3A_72 : memref<10000xi32, #tpu.memory_space<hbm>>) dst(%arg6 : memref<10000xi32, #tpu.memory_space<vmem>>)
      tpu.yield
    }) : () -> ()
    %barrier3A = arith.constant 0 : index
    tpu.barrier barrier_id(%barrier3A)
    %dma_start3A = arith.constant 0 : i32
    %dma_start3A_17 = tpu.memref_slice %arg5[%dma_start3A] : memref<10000xi32, #tpu.memory_space<vmem>> -> memref<360xi32, #tpu.memory_space<vmem>>
    %dma_start3A_18 = arith.constant 0 : i32
    %dma_start3A_19 = arith.constant 0 : i32
    %dma_start3A_20 = tpu.memref_slice %arg2[%dma_start3A_18, %dma_start3A_19] : memref<10112x16xf32, #tpu.memory_space<hbm>> -> memref<10112x16xf32, #tpu.memory_space<hbm>>
    tpu.enqueue_indirect_dma source(%dma_start3A_20 : memref<10112x16xf32, #tpu.memory_space<hbm>>) target(%arg7 : memref<360x16xf32, #tpu.memory_space<vmem>>) offsets(%dma_start3A_17 : memref<360xi32, #tpu.memory_space<vmem>>) semaphore(%arg10 : memref<!tpu.dma_semaphore, #tpu.memory_space<semaphore_mem>>)
    %dma_start3A_21 = arith.constant 360 : i32
    %dma_start3A_22 = tpu.memref_slice %arg5[%dma_start3A_21] : memref<10000xi32, #tpu.memory_space<vmem>> -> memref<360xi32, #tpu.memory_space<vmem>>
    %dma_start3A_23 = arith.constant 0 : i32
    %dma_start3A_24 = arith.constant 0 : i32
    %dma_start3A_25 = tpu.memref_slice %arg2[%dma_start3A_23, %dma_start3A_24] : memref<10112x16xf32, #tpu.memory_space<hbm>> -> memref<10112x16xf32, #tpu.memory_space<hbm>>
    tpu.enqueue_indirect_dma source(%dma_start3A_25 : memref<10112x16xf32, #tpu.memory_space<hbm>>) target(%arg8 : memref<360x16xf32, #tpu.memory_space<vmem>>) offsets(%dma_start3A_22 : memref<360xi32, #tpu.memory_space<vmem>>) semaphore(%arg11 : memref<!tpu.dma_semaphore, #tpu.memory_space<semaphore_mem>>)
    %scan3A_26 = arith.constant 0 : i32
    %scan3A_27 = arith.constant 0 : i32
    %scan3A_28 = arith.constant 13 : i32
    %scan3A_29 = arith.addi %scan3A_27, %scan3A_28 : i32
    %scan3A_30 = arith.constant 1 : i32
    scf.for %scan3A_64 = %scan3A_27 to %scan3A_29 step %scan3A_30  : i32 {
      %mul3A_65 = arith.constant 2 : i32
      %mul3A_66 = arith.muli %mul3A_65, %scan3A_64 : i32
      %add3A_67 = arith.constant 0 : i32
      %add3A_68 = arith.addi %mul3A_66, %add3A_67 : i32
      %mul3A_69 = arith.constant 360 : i32
      %mul3A_70 = arith.muli %add3A_68, %mul3A_69 : i32
      %dma_wait3A_71 = tpu.memref_slice %arg5[%mul3A_70] : memref<10000xi32, #tpu.memory_space<vmem>> -> memref<360xi32, #tpu.memory_space<vmem>>
      %dma_wait3A_72 = arith.constant 0 : i32
      %dma_wait3A_73 = arith.constant 0 : i32
      %dma_wait3A_74 = tpu.memref_slice %arg2[%dma_wait3A_72, %dma_wait3A_73] : memref<10112x16xf32, #tpu.memory_space<hbm>> -> memref<10112x16xf32, #tpu.memory_space<hbm>>
      tpu.wait_indirect_dma semaphore(%arg10 : memref<!tpu.dma_semaphore, #tpu.memory_space<semaphore_mem>>) src(%dma_wait3A_74 : memref<10112x16xf32, #tpu.memory_space<hbm>>) dst(%arg7 : memref<360x16xf32, #tpu.memory_space<vmem>>)
      %mul3A_75 = arith.constant 360 : i32
      %mul3A_76 = arith.muli %add3A_68, %mul3A_75 : i32
      %dma_start3A_77 = tpu.memref_slice %arg6[%mul3A_76] : memref<10000xi32, #tpu.memory_space<vmem>> -> memref<360xi32, #tpu.memory_space<vmem>>
      %dma_start3A_78 = arith.constant 0 : i32
      %dma_start3A_79 = arith.constant 0 : i32
      %dma_start3A_80 = tpu.memref_slice %arg9[%dma_start3A_78, %dma_start3A_79] : memref<10112x16xf32, #tpu.memory_space<vmem_shared>> -> memref<10112x16xf32, #tpu.memory_space<vmem_shared>>
      tpu.enqueue_indirect_dma source(%arg7 : memref<360x16xf32, #tpu.memory_space<vmem>>) target(%dma_start3A_80 : memref<10112x16xf32, #tpu.memory_space<vmem_shared>>) offsets(%dma_start3A_77 : memref<360xi32, #tpu.memory_space<vmem>>) semaphore(%arg12 : memref<!tpu.dma_semaphore, #tpu.memory_space<semaphore_mem>>) {add = true}
      %add3A_81 = arith.constant 1 : i32
      %add3A_82 = arith.addi %mul3A_66, %add3A_81 : i32
      %mul3A_83 = arith.constant 360 : i32
      %mul3A_84 = arith.muli %add3A_82, %mul3A_83 : i32
      %dma_wait3A_85 = tpu.memref_slice %arg5[%mul3A_84] : memref<10000xi32, #tpu.memory_space<vmem>> -> memref<360xi32, #tpu.memory_space<vmem>>
      %dma_wait3A_86 = arith.constant 0 : i32
      %dma_wait3A_87 = arith.constant 0 : i32
      %dma_wait3A_88 = tpu.memref_slice %arg2[%dma_wait3A_86, %dma_wait3A_87] : memref<10112x16xf32, #tpu.memory_space<hbm>> -> memref<10112x16xf32, #tpu.memory_space<hbm>>
      tpu.wait_indirect_dma semaphore(%arg11 : memref<!tpu.dma_semaphore, #tpu.memory_space<semaphore_mem>>) src(%dma_wait3A_88 : memref<10112x16xf32, #tpu.memory_space<hbm>>) dst(%arg8 : memref<360x16xf32, #tpu.memory_space<vmem>>)
      %mul3A_89 = arith.constant 360 : i32
      %mul3A_90 = arith.muli %add3A_82, %mul3A_89 : i32
      %dma_start3A_91 = tpu.memref_slice %arg6[%mul3A_90] : memref<10000xi32, #tpu.memory_space<vmem>> -> memref<360xi32, #tpu.memory_space<vmem>>
      %dma_start3A_92 = arith.constant 0 : i32
      %dma_start3A_93 = arith.constant 0 : i32
      %dma_start3A_94 = tpu.memref_slice %arg9[%dma_start3A_92, %dma_start3A_93] : memref<10112x16xf32, #tpu.memory_space<vmem_shared>> -> memref<10112x16xf32, #tpu.memory_space<vmem_shared>>
      tpu.enqueue_indirect_dma source(%arg8 : memref<360x16xf32, #tpu.memory_space<vmem>>) target(%dma_start3A_94 : memref<10112x16xf32, #tpu.memory_space<vmem_shared>>) offsets(%dma_start3A_91 : memref<360xi32, #tpu.memory_space<vmem>>) semaphore(%arg13 : memref<!tpu.dma_semaphore, #tpu.memory_space<semaphore_mem>>) {add = true}
      %add3A_95 = arith.constant 0 : i32
      %add3A_96 = arith.addi %mul3A_66, %add3A_95 : i32
      %mul3A_97 = arith.constant 360 : i32
      %mul3A_98 = arith.muli %add3A_96, %mul3A_97 : i32
      %dma_wait3A_99 = tpu.memref_slice %arg6[%mul3A_98] : memref<10000xi32, #tpu.memory_space<vmem>> -> memref<360xi32, #tpu.memory_space<vmem>>
      %dma_wait3A_100 = arith.constant 0 : i32
      %dma_wait3A_101 = arith.constant 0 : i32
      %dma_wait3A_102 = tpu.memref_slice %arg9[%dma_wait3A_100, %dma_wait3A_101] : memref<10112x16xf32, #tpu.memory_space<vmem_shared>> -> memref<10112x16xf32, #tpu.memory_space<vmem_shared>>
      tpu.wait_indirect_dma semaphore(%arg12 : memref<!tpu.dma_semaphore, #tpu.memory_space<semaphore_mem>>) src(%arg7 : memref<360x16xf32, #tpu.memory_space<vmem>>) dst(%dma_wait3A_102 : memref<10112x16xf32, #tpu.memory_space<vmem_shared>>)
      %lt3A = arith.constant 12 : i32
      %lt3A_103 = arith.cmpi slt, %scan3A_64, %lt3A : i32
      %convert_element_type3A = arith.extui %lt3A_103 : i1 to i32
      %cond3A = arith.constant 0 : i32
      %cond3A_104 = arith.cmpi ne, %convert_element_type3A, %cond3A : i32
      scf.if %cond3A_104 {
        %add3A_118 = arith.constant 2 : i32
        %add3A_119 = arith.addi %add3A_96, %add3A_118 : i32
        %mul3A_120 = arith.constant 360 : i32
        %mul3A_121 = arith.muli %add3A_119, %mul3A_120 : i32
        %dma_start3A_122 = tpu.memref_slice %arg5[%mul3A_121] : memref<10000xi32, #tpu.memory_space<vmem>> -> memref<360xi32, #tpu.memory_space<vmem>>
        %dma_start3A_123 = arith.constant 0 : i32
        %dma_start3A_124 = arith.constant 0 : i32
        %dma_start3A_125 = tpu.memref_slice %arg2[%dma_start3A_123, %dma_start3A_124] : memref<10112x16xf32, #tpu.memory_space<hbm>> -> memref<10112x16xf32, #tpu.memory_space<hbm>>
        tpu.enqueue_indirect_dma source(%dma_start3A_125 : memref<10112x16xf32, #tpu.memory_space<hbm>>) target(%arg7 : memref<360x16xf32, #tpu.memory_space<vmem>>) offsets(%dma_start3A_122 : memref<360xi32, #tpu.memory_space<vmem>>) semaphore(%arg10 : memref<!tpu.dma_semaphore, #tpu.memory_space<semaphore_mem>>)
      } else {
      }
      %add3A_105 = arith.constant 1 : i32
      %add3A_106 = arith.addi %mul3A_66, %add3A_105 : i32
      %mul3A_107 = arith.constant 360 : i32
      %mul3A_108 = arith.muli %add3A_106, %mul3A_107 : i32
      %dma_wait3A_109 = tpu.memref_slice %arg6[%mul3A_108] : memref<10000xi32, #tpu.memory_space<vmem>> -> memref<360xi32, #tpu.memory_space<vmem>>
      %dma_wait3A_110 = arith.constant 0 : i32
      %dma_wait3A_111 = arith.constant 0 : i32
      %dma_wait3A_112 = tpu.memref_slice %arg9[%dma_wait3A_110, %dma_wait3A_111] : memref<10112x16xf32, #tpu.memory_space<vmem_shared>> -> memref<10112x16xf32, #tpu.memory_space<vmem_shared>>
      tpu.wait_indirect_dma semaphore(%arg13 : memref<!tpu.dma_semaphore, #tpu.memory_space<semaphore_mem>>) src(%arg8 : memref<360x16xf32, #tpu.memory_space<vmem>>) dst(%dma_wait3A_112 : memref<10112x16xf32, #tpu.memory_space<vmem_shared>>)
      %lt3A_113 = arith.constant 12 : i32
      %lt3A_114 = arith.cmpi slt, %scan3A_64, %lt3A_113 : i32
      %convert_element_type3A_115 = arith.extui %lt3A_114 : i1 to i32
      %cond3A_116 = arith.constant 0 : i32
      %cond3A_117 = arith.cmpi ne, %convert_element_type3A_115, %cond3A_116 : i32
      scf.if %cond3A_117 {
        %add3A_118 = arith.constant 2 : i32
        %add3A_119 = arith.addi %add3A_106, %add3A_118 : i32
        %mul3A_120 = arith.constant 360 : i32
        %mul3A_121 = arith.muli %add3A_119, %mul3A_120 : i32
        %dma_start3A_122 = tpu.memref_slice %arg5[%mul3A_121] : memref<10000xi32, #tpu.memory_space<vmem>> -> memref<360xi32, #tpu.memory_space<vmem>>
        %dma_start3A_123 = arith.constant 0 : i32
        %dma_start3A_124 = arith.constant 0 : i32
        %dma_start3A_125 = tpu.memref_slice %arg2[%dma_start3A_123, %dma_start3A_124] : memref<10112x16xf32, #tpu.memory_space<hbm>> -> memref<10112x16xf32, #tpu.memory_space<hbm>>
        tpu.enqueue_indirect_dma source(%dma_start3A_125 : memref<10112x16xf32, #tpu.memory_space<hbm>>) target(%arg8 : memref<360x16xf32, #tpu.memory_space<vmem>>) offsets(%dma_start3A_122 : memref<360xi32, #tpu.memory_space<vmem>>) semaphore(%arg11 : memref<!tpu.dma_semaphore, #tpu.memory_space<semaphore_mem>>)
      } else {
      }
    }
    %scan3A_31 = arith.constant 13 : i32
    %dma_start3A_32 = arith.constant 0 : i32
    %dma_start3A_33 = arith.constant 0 : i32
    %dma_start3A_34 = tpu.memref_slice %arg7[%dma_start3A_32, %dma_start3A_33] : memref<360x16xf32, #tpu.memory_space<vmem>> -> memref<360x16xf32, #tpu.memory_space<vmem>>
    %dma_start3A_35 = arith.constant 9360 : i32
    %dma_start3A_36 = tpu.memref_slice %arg5[%dma_start3A_35] : memref<10000xi32, #tpu.memory_space<vmem>> -> memref<360xi32, #tpu.memory_space<vmem>>
    %dma_start3A_37 = arith.constant 0 : i32
    %dma_start3A_38 = arith.constant 0 : i32
    %dma_start3A_39 = tpu.memref_slice %arg2[%dma_start3A_37, %dma_start3A_38] : memref<10112x16xf32, #tpu.memory_space<hbm>> -> memref<10112x16xf32, #tpu.memory_space<hbm>>
    tpu.enqueue_indirect_dma source(%dma_start3A_39 : memref<10112x16xf32, #tpu.memory_space<hbm>>) target(%dma_start3A_34 : memref<360x16xf32, #tpu.memory_space<vmem>>) offsets(%dma_start3A_36 : memref<360xi32, #tpu.memory_space<vmem>>) semaphore(%arg10 : memref<!tpu.dma_semaphore, #tpu.memory_space<semaphore_mem>>)
    %dma_wait3A = arith.constant 0 : i32
    %dma_wait3A_40 = arith.constant 0 : i32
    %dma_wait3A_41 = tpu.memref_slice %arg7[%dma_wait3A, %dma_wait3A_40] : memref<360x16xf32, #tpu.memory_space<vmem>> -> memref<360x16xf32, #tpu.memory_space<vmem>>
    %dma_wait3A_42 = arith.constant 9360 : i32
    %dma_wait3A_43 = tpu.memref_slice %arg5[%dma_wait3A_42] : memref<10000xi32, #tpu.memory_space<vmem>> -> memref<360xi32, #tpu.memory_space<vmem>>
    %dma_wait3A_44 = arith.constant 0 : i32
    %dma_wait3A_45 = arith.constant 0 : i32
    %dma_wait3A_46 = tpu.memref_slice %arg2[%dma_wait3A_44, %dma_wait3A_45] : memref<10112x16xf32, #tpu.memory_space<hbm>> -> memref<10112x16xf32, #tpu.memory_space<hbm>>
    tpu.wait_indirect_dma semaphore(%arg10 : memref<!tpu.dma_semaphore, #tpu.memory_space<semaphore_mem>>) src(%dma_wait3A_46 : memref<10112x16xf32, #tpu.memory_space<hbm>>) dst(%dma_wait3A_41 : memref<360x16xf32, #tpu.memory_space<vmem>>)
    "tpu.region"() ({
      %run_scoped3A_64 = tpu.sem_alloc : memref<!tpu.dma_semaphore, #tpu.memory_space<semaphore_mem>>
      %dma_start3A_65 = arith.constant 0 : i32
      %dma_start3A_66 = arith.constant 0 : i32
      %dma_start3A_67 = tpu.memref_slice %arg7[%dma_start3A_65, %dma_start3A_66] : memref<360x16xf32, #tpu.memory_space<vmem>> -> memref<360x16xf32, #tpu.memory_space<vmem>>
      %dma_start3A_68 = arith.constant 9360 : i32
      %dma_start3A_69 = tpu.memref_slice %arg6[%dma_start3A_68] : memref<10000xi32, #tpu.memory_space<vmem>> -> memref<360xi32, #tpu.memory_space<vmem>>
      %dma_start3A_70 = arith.constant 0 : i32
      %dma_start3A_71 = arith.constant 0 : i32
      %dma_start3A_72 = tpu.memref_slice %arg9[%dma_start3A_70, %dma_start3A_71] : memref<10112x16xf32, #tpu.memory_space<vmem_shared>> -> memref<10112x16xf32, #tpu.memory_space<vmem_shared>>
      tpu.enqueue_indirect_dma source(%dma_start3A_67 : memref<360x16xf32, #tpu.memory_space<vmem>>) target(%dma_start3A_72 : memref<10112x16xf32, #tpu.memory_space<vmem_shared>>) offsets(%dma_start3A_69 : memref<360xi32, #tpu.memory_space<vmem>>) semaphore(%run_scoped3A_64 : memref<!tpu.dma_semaphore, #tpu.memory_space<semaphore_mem>>) {add = true}
      %dma_wait3A_73 = arith.constant 0 : i32
      %dma_wait3A_74 = arith.constant 0 : i32
      %dma_wait3A_75 = tpu.memref_slice %arg7[%dma_wait3A_73, %dma_wait3A_74] : memref<360x16xf32, #tpu.memory_space<vmem>> -> memref<360x16xf32, #tpu.memory_space<vmem>>
      %dma_wait3A_76 = arith.constant 9360 : i32
      %dma_wait3A_77 = tpu.memref_slice %arg6[%dma_wait3A_76] : memref<10000xi32, #tpu.memory_space<vmem>> -> memref<360xi32, #tpu.memory_space<vmem>>
      %dma_wait3A_78 = arith.constant 0 : i32
      %dma_wait3A_79 = arith.constant 0 : i32
      %dma_wait3A_80 = tpu.memref_slice %arg9[%dma_wait3A_78, %dma_wait3A_79] : memref<10112x16xf32, #tpu.memory_space<vmem_shared>> -> memref<10112x16xf32, #tpu.memory_space<vmem_shared>>
      tpu.wait_indirect_dma semaphore(%run_scoped3A_64 : memref<!tpu.dma_semaphore, #tpu.memory_space<semaphore_mem>>) src(%dma_wait3A_75 : memref<360x16xf32, #tpu.memory_space<vmem>>) dst(%dma_wait3A_80 : memref<10112x16xf32, #tpu.memory_space<vmem_shared>>)
      tpu.yield
    }) : () -> ()
    %dma_start3A_47 = arith.constant 0 : i32
    %dma_start3A_48 = arith.constant 0 : i32
    %dma_start3A_49 = tpu.memref_slice %arg7[%dma_start3A_47, %dma_start3A_48] : memref<360x16xf32, #tpu.memory_space<vmem>> -> memref<280x16xf32, #tpu.memory_space<vmem>>
    %dma_start3A_50 = arith.constant 9720 : i32
    %dma_start3A_51 = tpu.memref_slice %arg5[%dma_start3A_50] : memref<10000xi32, #tpu.memory_space<vmem>> -> memref<280xi32, #tpu.memory_space<vmem>>
    %dma_start3A_52 = arith.constant 0 : i32
    %dma_start3A_53 = arith.constant 0 : i32
    %dma_start3A_54 = tpu.memref_slice %arg2[%dma_start3A_52, %dma_start3A_53] : memref<10112x16xf32, #tpu.memory_space<hbm>> -> memref<10112x16xf32, #tpu.memory_space<hbm>>
    tpu.enqueue_indirect_dma source(%dma_start3A_54 : memref<10112x16xf32, #tpu.memory_space<hbm>>) target(%dma_start3A_49 : memref<280x16xf32, #tpu.memory_space<vmem>>) offsets(%dma_start3A_51 : memref<280xi32, #tpu.memory_space<vmem>>) semaphore(%arg10 : memref<!tpu.dma_semaphore, #tpu.memory_space<semaphore_mem>>)
    %dma_wait3A_55 = arith.constant 0 : i32
    %dma_wait3A_56 = arith.constant 0 : i32
    %dma_wait3A_57 = tpu.memref_slice %arg7[%dma_wait3A_55, %dma_wait3A_56] : memref<360x16xf32, #tpu.memory_space<vmem>> -> memref<280x16xf32, #tpu.memory_space<vmem>>
    %dma_wait3A_58 = arith.constant 9720 : i32
    %dma_wait3A_59 = tpu.memref_slice %arg5[%dma_wait3A_58] : memref<10000xi32, #tpu.memory_space<vmem>> -> memref<280xi32, #tpu.memory_space<vmem>>
    %dma_wait3A_60 = arith.constant 0 : i32
    %dma_wait3A_61 = arith.constant 0 : i32
    %dma_wait3A_62 = tpu.memref_slice %arg2[%dma_wait3A_60, %dma_wait3A_61] : memref<10112x16xf32, #tpu.memory_space<hbm>> -> memref<10112x16xf32, #tpu.memory_space<hbm>>
    tpu.wait_indirect_dma semaphore(%arg10 : memref<!tpu.dma_semaphore, #tpu.memory_space<semaphore_mem>>) src(%dma_wait3A_62 : memref<10112x16xf32, #tpu.memory_space<hbm>>) dst(%dma_wait3A_57 : memref<280x16xf32, #tpu.memory_space<vmem>>)
    "tpu.region"() ({
      %run_scoped3A_64 = tpu.sem_alloc : memref<!tpu.dma_semaphore, #tpu.memory_space<semaphore_mem>>
      %dma_start3A_65 = arith.constant 0 : i32
      %dma_start3A_66 = arith.constant 0 : i32
      %dma_start3A_67 = tpu.memref_slice %arg7[%dma_start3A_65, %dma_start3A_66] : memref<360x16xf32, #tpu.memory_space<vmem>> -> memref<280x16xf32, #tpu.memory_space<vmem>>
      %dma_start3A_68 = arith.constant 9720 : i32
      %dma_start3A_69 = tpu.memref_slice %arg6[%dma_start3A_68] : memref<10000xi32, #tpu.memory_space<vmem>> -> memref<280xi32, #tpu.memory_space<vmem>>
      %dma_start3A_70 = arith.constant 0 : i32
      %dma_start3A_71 = arith.constant 0 : i32
      %dma_start3A_72 = tpu.memref_slice %arg9[%dma_start3A_70, %dma_start3A_71] : memref<10112x16xf32, #tpu.memory_space<vmem_shared>> -> memref<10112x16xf32, #tpu.memory_space<vmem_shared>>
      tpu.enqueue_indirect_dma source(%dma_start3A_67 : memref<280x16xf32, #tpu.memory_space<vmem>>) target(%dma_start3A_72 : memref<10112x16xf32, #tpu.memory_space<vmem_shared>>) offsets(%dma_start3A_69 : memref<280xi32, #tpu.memory_space<vmem>>) semaphore(%run_scoped3A_64 : memref<!tpu.dma_semaphore, #tpu.memory_space<semaphore_mem>>) {add = true}
      %dma_wait3A_73 = arith.constant 0 : i32
      %dma_wait3A_74 = arith.constant 0 : i32
      %dma_wait3A_75 = tpu.memref_slice %arg7[%dma_wait3A_73, %dma_wait3A_74] : memref<360x16xf32, #tpu.memory_space<vmem>> -> memref<280x16xf32, #tpu.memory_space<vmem>>
      %dma_wait3A_76 = arith.constant 9720 : i32
      %dma_wait3A_77 = tpu.memref_slice %arg6[%dma_wait3A_76] : memref<10000xi32, #tpu.memory_space<vmem>> -> memref<280xi32, #tpu.memory_space<vmem>>
      %dma_wait3A_78 = arith.constant 0 : i32
      %dma_wait3A_79 = arith.constant 0 : i32
      %dma_wait3A_80 = tpu.memref_slice %arg9[%dma_wait3A_78, %dma_wait3A_79] : memref<10112x16xf32, #tpu.memory_space<vmem_shared>> -> memref<10112x16xf32, #tpu.memory_space<vmem_shared>>
      tpu.wait_indirect_dma semaphore(%run_scoped3A_64 : memref<!tpu.dma_semaphore, #tpu.memory_space<semaphore_mem>>) src(%dma_wait3A_75 : memref<280x16xf32, #tpu.memory_space<vmem>>) dst(%dma_wait3A_80 : memref<10112x16xf32, #tpu.memory_space<vmem_shared>>)
      tpu.yield
    }) : () -> ()
    %barrier3A_63 = arith.constant 0 : index
    tpu.barrier barrier_id(%barrier3A_63)
    "tpu.region"() ({
      %run_scoped3A_64 = tpu.sem_alloc : memref<!tpu.dma_semaphore, #tpu.memory_space<semaphore_mem>>
      %dma_start3A_65 = arith.constant 0 : i32
      %dma_start3A_66 = tpu.memref_slice %arg4[%arg0, %mul3A_7, %dma_start3A_65] : memref<2x10112x16xf32, #tpu.memory_space<hbm>> -> memref<1x632x16xf32, #tpu.memory_space<hbm>>
      %dma_start3A_67 = tpu.memref_squeeze %dma_start3A_66 : memref<1x632x16xf32, #tpu.memory_space<hbm>> -> memref<632x16xf32, #tpu.memory_space<hbm>>
      %dma_start3A_68 = arith.constant 0 : i32
      %dma_start3A_69 = tpu.memref_slice %arg9[%mul3A_7, %dma_start3A_68] : memref<10112x16xf32, #tpu.memory_space<vmem_shared>> -> memref<632x16xf32, #tpu.memory_space<vmem_shared>>
      tpu.enqueue_dma source(%dma_start3A_69 : memref<632x16xf32, #tpu.memory_space<vmem_shared>>) target(%dma_start3A_67 : memref<632x16xf32, #tpu.memory_space<hbm>>) target_semaphore(%run_scoped3A_64 : memref<!tpu.dma_semaphore, #tpu.memory_space<semaphore_mem>>)
      %dma_wait3A_70 = arith.constant 0 : i32
      %dma_wait3A_71 = tpu.memref_slice %arg4[%arg0, %mul3A_7, %dma_wait3A_70] : memref<2x10112x16xf32, #tpu.memory_space<hbm>> -> memref<1x632x16xf32, #tpu.memory_space<hbm>>
      %dma_wait3A_72 = tpu.memref_squeeze %dma_wait3A_71 : memref<1x632x16xf32, #tpu.memory_space<hbm>> -> memref<632x16xf32, #tpu.memory_space<hbm>>
      %dma_wait3A_73 = arith.constant 0 : i32
      %dma_wait3A_74 = tpu.memref_slice %arg9[%mul3A_7, %dma_wait3A_73] : memref<10112x16xf32, #tpu.memory_space<vmem_shared>> -> memref<632x16xf32, #tpu.memory_space<vmem_shared>>
      tpu.wait_dma2 semaphore(%run_scoped3A_64 : memref<!tpu.dma_semaphore, #tpu.memory_space<semaphore_mem>>) src(%dma_wait3A_74 : memref<632x16xf32, #tpu.memory_space<vmem_shared>>) dst(%dma_wait3A_72 : memref<632x16xf32, #tpu.memory_space<hbm>>)
      tpu.yield
    }) : () -> ()
    return
  }
}

module attributes {stable_mosaic.version = 14 : i64} {
  func.func @body(%arg0: i32, %arg1: memref<1264x128xf32, #tpu.memory_space<vmem>>, %arg2: memref<128x80xf32, #tpu.memory_space<vmem>>, %arg3: memref<1264x80xf32, #tpu.memory_space<vmem>>) attributes {dimension_semantics = [#tpu.dimension_semantics<arbitrary>], iteration_bounds = array<i64: 8>, scalar_prefetch = 0 : i64, scratch_operands = 0 : i64, tpu.core_type = #tpu.core_type<tc>, window_params = [{transform_indices = @transform_0, window_bounds = array<i64: 1264, 128>}, {pipeline_mode = #tpu.pipeline_mode<synchronous>, transform_indices = @transform_1, window_bounds = array<i64: 128, 80>}, {transform_indices = @transform_2, window_bounds = array<i64: 1264, 80>}]} {
    %get3A = arith.constant 0 : index
    %get3A_0 = arith.constant 0 : index
    %get3A_1 = vector.load %arg1[%get3A, %get3A_0] : memref<1264x128xf32, #tpu.memory_space<vmem>>, vector<1264x128xf32>
    %get3A_2 = arith.constant 0 : index
    %get3A_3 = arith.constant 0 : index
    %get3A_4 = vector.load %arg2[%get3A_2, %get3A_3] : memref<128x80xf32, #tpu.memory_space<vmem>>, vector<128x80xf32>
    %dot_general3A = arith.constant dense<0.000000e+00> : vector<1264x80xf32>
    %dot_general3A_5 = tpu.matmul %get3A_1, %get3A_4, %dot_general3A {dimension_numbers = #tpu.dot_dimension_numbers<[1], [0], [0], [1], [0, 0, 1, 1], [], []>, transpose_lhs_hint = false} : vector<1264x128xf32>, vector<128x80xf32>, vector<1264x80xf32> -> vector<1264x80xf32>
    %swap3A = arith.constant 0 : index
    %swap3A_6 = arith.constant 0 : index
    %swap3A_7 = vector.load %arg3[%swap3A, %swap3A_6] : memref<1264x80xf32, #tpu.memory_space<vmem>>, vector<1264x80xf32>
    tpu.vector_store %arg3[%swap3A, %swap3A_6], %dot_general3A_5 {strides = array<i32>} : memref<1264x80xf32, #tpu.memory_space<vmem>>, vector<1264x80xf32>,
    return
  }
  func.func @transform_0(%arg0: i32) -> (i32, i32) {
    %c0_i32 = arith.constant 0 : i32
    %c0_i32_0 = arith.constant 0 : i32
    return %arg0, %c0_i32 : i32, i32
  }
  func.func @transform_1(%arg0: i32) -> (i32, i32) {
    %c0_i32 = arith.constant 0 : i32
    %c0_i32_0 = arith.constant 0 : i32
    %c0_i32_1 = arith.constant 0 : i32
    return %c0_i32, %c0_i32_0 : i32, i32
  }
  func.func @transform_2(%arg0: i32) -> (i32, i32) {
    %c0_i32 = arith.constant 0 : i32
    %c0_i32_0 = arith.constant 0 : i32
    return %arg0, %c0_i32 : i32, i32
  }
}

module attributes {stable_mosaic.version = 14 : i64} {
  func.func @body(%arg0: i32, %arg1: memref<2x1264x16xf32, #tpu.memory_space<vmem>>, %arg2: memref<1264x80xf32, #tpu.memory_space<vmem>>, %arg3: memref<1264x80xf32, #tpu.memory_space<vmem>>, %arg4: memref<1264x16xf32, #tpu.memory_space<vmem>>) attributes {dimension_semantics = [#tpu.dimension_semantics<arbitrary>], iteration_bounds = array<i64: 8>, scalar_prefetch = 0 : i64, scratch_operands = 0 : i64, tpu.core_type = #tpu.core_type<tc>, window_params = [{transform_indices = @transform_0, window_bounds = array<i64: 2, 1264, 16>}, {transform_indices = @transform_1, window_bounds = array<i64: 1264, 80>}, {transform_indices = @transform_2, window_bounds = array<i64: 1264, 80>}, {transform_indices = @transform_3, window_bounds = array<i64: 1264, 16>}]} {
    %get3A = arith.constant 0 : index
    %get3A_0 = arith.constant 0 : index
    %get3A_1 = arith.constant 0 : index
    %get3A_2 = vector.load %arg1[%get3A, %get3A_0, %get3A_1] : memref<2x1264x16xf32, #tpu.memory_space<vmem>>, vector<1x1264x16xf32>
    %get3A_3 = vector.shape_cast %get3A_2 : vector<1x1264x16xf32> to vector<1264x16xf32>
    %get3A_4 = arith.constant 1 : index
    %get3A_5 = arith.constant 0 : index
    %get3A_6 = arith.constant 0 : index
    %get3A_7 = vector.load %arg1[%get3A_4, %get3A_5, %get3A_6] : memref<2x1264x16xf32, #tpu.memory_space<vmem>>, vector<1x1264x16xf32>
    %get3A_8 = vector.shape_cast %get3A_7 : vector<1x1264x16xf32> to vector<1264x16xf32>
    %add3A = arith.addf %get3A_3, %get3A_8 : vector<1264x16xf32>
    %add3A_9 = arith.constant 1.000000e+00 : f32
    %add3A_10 = vector.broadcast %add3A_9 : f32 to vector<1264x16xf32>
    %add3A_11 = arith.addf %add3A, %add3A_10 : vector<1264x16xf32>
    %max3A = arith.constant 1.000000e+00 : f32
    %max3A_12 = vector.broadcast %max3A : f32 to vector<1264x16xf32>
    %max3A_13 = arith.maximumf %add3A_11, %max3A_12 : vector<1264x16xf32>
    %rsqrt3A = math.rsqrt %max3A_13 : vector<1264x16xf32>
    %swap3A = arith.constant 0 : index
    %swap3A_14 = arith.constant 0 : index
    %swap3A_15 = vector.load %arg4[%swap3A, %swap3A_14] : memref<1264x16xf32, #tpu.memory_space<vmem>>, vector<1264x16xf32>
    tpu.vector_store %arg4[%swap3A, %swap3A_14], %rsqrt3A {strides = array<i32>} : memref<1264x16xf32, #tpu.memory_space<vmem>>, vector<1264x16xf32>,
    %get3A_16 = arith.constant 0 : index
    %get3A_17 = arith.constant 0 : index
    %get3A_18 = vector.load %arg2[%get3A_16, %get3A_17] : memref<1264x80xf32, #tpu.memory_space<vmem>>, vector<1264x80xf32>
    %slice3A = vector.extract_strided_slice %rsqrt3A {offsets = [0, 0], sizes = [1264, 1], strides = [1, 1]} : vector<1264x16xf32> to vector<1264x1xf32>
    %mul3A = vector.broadcast %slice3A : vector<1264x1xf32> to vector<1264x80xf32>
    %mul3A_19 = arith.mulf %get3A_18, %mul3A : vector<1264x80xf32>
    %swap3A_20 = arith.constant 0 : index
    %swap3A_21 = arith.constant 0 : index
    %swap3A_22 = vector.load %arg3[%swap3A_20, %swap3A_21] : memref<1264x80xf32, #tpu.memory_space<vmem>>, vector<1264x80xf32>
    tpu.vector_store %arg3[%swap3A_20, %swap3A_21], %mul3A_19 {strides = array<i32>} : memref<1264x80xf32, #tpu.memory_space<vmem>>, vector<1264x80xf32>,
    return
  }
  func.func @transform_0(%arg0: i32) -> (i32, i32, i32) {
    %c0_i32 = arith.constant 0 : i32
    %c0_i32_0 = arith.constant 0 : i32
    %c0_i32_1 = arith.constant 0 : i32
    return %c0_i32, %arg0, %c0_i32_0 : i32, i32, i32
  }
  func.func @transform_1(%arg0: i32) -> (i32, i32) {
    %c0_i32 = arith.constant 0 : i32
    %c0_i32_0 = arith.constant 0 : i32
    return %arg0, %c0_i32 : i32, i32
  }
  func.func @transform_2(%arg0: i32) -> (i32, i32) {
    %c0_i32 = arith.constant 0 : i32
    %c0_i32_0 = arith.constant 0 : i32
    return %arg0, %c0_i32 : i32, i32
  }
  func.func @transform_3(%arg0: i32) -> (i32, i32) {
    %c0_i32 = arith.constant 0 : i32
    %c0_i32_0 = arith.constant 0 : i32
    return %arg0, %c0_i32 : i32, i32
  }
}

module attributes {stable_mosaic.version = 14 : i64} {
  func.func @body(%arg0: i32, %arg1: memref<2x1264x80xf32, #tpu.memory_space<vmem>>, %arg2: memref<1264x80xf32, #tpu.memory_space<vmem>>, %arg3: memref<1264x16xf32, #tpu.memory_space<vmem>>, %arg4: memref<1x80xf32, #tpu.memory_space<vmem>>, %arg5: memref<80x16xf32, #tpu.memory_space<vmem>>, %arg6: memref<1264x16xf32, #tpu.memory_space<vmem>>) attributes {dimension_semantics = [#tpu.dimension_semantics<arbitrary>], iteration_bounds = array<i64: 8>, scalar_prefetch = 0 : i64, scratch_operands = 0 : i64, tpu.core_type = #tpu.core_type<tc>, window_params = [{transform_indices = @transform_0, window_bounds = array<i64: 2, 1264, 80>}, {transform_indices = @transform_1, window_bounds = array<i64: 1264, 80>}, {transform_indices = @transform_2, window_bounds = array<i64: 1264, 16>}, {pipeline_mode = #tpu.pipeline_mode<synchronous>, transform_indices = @transform_3, window_bounds = array<i64: 1, 80>}, {pipeline_mode = #tpu.pipeline_mode<synchronous>, transform_indices = @transform_4, window_bounds = array<i64: 80, 16>}, {transform_indices = @transform_5, window_bounds = array<i64: 1264, 16>}]} {
    %get3A = arith.constant 0 : index
    %get3A_0 = arith.constant 0 : index
    %get3A_1 = vector.load %arg3[%get3A, %get3A_0] : memref<1264x16xf32, #tpu.memory_space<vmem>>, vector<1264x1xf32>
    %get3A_2 = arith.constant 0 : index
    %get3A_3 = arith.constant 0 : index
    %get3A_4 = arith.constant 0 : index
    %get3A_5 = vector.load %arg1[%get3A_2, %get3A_3, %get3A_4] : memref<2x1264x80xf32, #tpu.memory_space<vmem>>, vector<1x1264x80xf32>
    %get3A_6 = vector.shape_cast %get3A_5 : vector<1x1264x80xf32> to vector<1264x80xf32>
    %get3A_7 = arith.constant 1 : index
    %get3A_8 = arith.constant 0 : index
    %get3A_9 = arith.constant 0 : index
    %get3A_10 = vector.load %arg1[%get3A_7, %get3A_8, %get3A_9] : memref<2x1264x80xf32, #tpu.memory_space<vmem>>, vector<1x1264x80xf32>
    %get3A_11 = vector.shape_cast %get3A_10 : vector<1x1264x80xf32> to vector<1264x80xf32>
    %add3A = arith.addf %get3A_6, %get3A_11 : vector<1264x80xf32>
    %get3A_12 = arith.constant 0 : index
    %get3A_13 = arith.constant 0 : index
    %get3A_14 = vector.load %arg2[%get3A_12, %get3A_13] : memref<1264x80xf32, #tpu.memory_space<vmem>>, vector<1264x80xf32>
    %add3A_15 = arith.addf %add3A, %get3A_14 : vector<1264x80xf32>
    %mul3A = vector.broadcast %get3A_1 : vector<1264x1xf32> to vector<1264x80xf32>
    %mul3A_16 = arith.mulf %add3A_15, %mul3A : vector<1264x80xf32>
    %get3A_17 = arith.constant 0 : index
    %get3A_18 = arith.constant 0 : index
    %get3A_19 = vector.load %arg4[%get3A_17, %get3A_18] : memref<1x80xf32, #tpu.memory_space<vmem>>, vector<1x80xf32>
    %add3A_20 = vector.broadcast %get3A_19 : vector<1x80xf32> to vector<1264x80xf32>
    %add3A_21 = arith.addf %mul3A_16, %add3A_20 : vector<1264x80xf32>
    %max3A = arith.constant 0.000000e+00 : f32
    %max3A_22 = vector.broadcast %max3A : f32 to vector<1264x80xf32>
    %max3A_23 = arith.maximumf %add3A_21, %max3A_22 : vector<1264x80xf32>
    %get3A_24 = arith.constant 0 : index
    %get3A_25 = arith.constant 0 : index
    %get3A_26 = vector.load %arg5[%get3A_24, %get3A_25] : memref<80x16xf32, #tpu.memory_space<vmem>>, vector<80x16xf32>
    %dot_general3A = arith.constant dense<0.000000e+00> : vector<1264x16xf32>
    %dot_general3A_27 = tpu.matmul %max3A_23, %get3A_26, %dot_general3A {dimension_numbers = #tpu.dot_dimension_numbers<[1], [0], [0], [1], [0, 0, 1, 1], [], []>, transpose_lhs_hint = false} : vector<1264x80xf32>, vector<80x16xf32>, vector<1264x16xf32> -> vector<1264x16xf32>
    %mul3A_28 = vector.broadcast %get3A_1 : vector<1264x1xf32> to vector<1264x16xf32>
    %mul3A_29 = arith.mulf %dot_general3A_27, %mul3A_28 : vector<1264x16xf32>
    %swap3A = arith.constant 0 : index
    %swap3A_30 = arith.constant 0 : index
    %swap3A_31 = vector.load %arg6[%swap3A, %swap3A_30] : memref<1264x16xf32, #tpu.memory_space<vmem>>, vector<1264x16xf32>
    tpu.vector_store %arg6[%swap3A, %swap3A_30], %mul3A_29 {strides = array<i32>} : memref<1264x16xf32, #tpu.memory_space<vmem>>, vector<1264x16xf32>,
    return
  }
  func.func @transform_0(%arg0: i32) -> (i32, i32, i32) {
    %c0_i32 = arith.constant 0 : i32
    %c0_i32_0 = arith.constant 0 : i32
    %c0_i32_1 = arith.constant 0 : i32
    return %c0_i32, %arg0, %c0_i32_0 : i32, i32, i32
  }
  func.func @transform_1(%arg0: i32) -> (i32, i32) {
    %c0_i32 = arith.constant 0 : i32
    %c0_i32_0 = arith.constant 0 : i32
    return %arg0, %c0_i32 : i32, i32
  }
  func.func @transform_2(%arg0: i32) -> (i32, i32) {
    %c0_i32 = arith.constant 0 : i32
    %c0_i32_0 = arith.constant 0 : i32
    return %arg0, %c0_i32 : i32, i32
  }
  func.func @transform_3(%arg0: i32) -> (i32, i32) {
    %c0_i32 = arith.constant 0 : i32
    %c0_i32_0 = arith.constant 0 : i32
    %c0_i32_1 = arith.constant 0 : i32
    return %c0_i32, %c0_i32_0 : i32, i32
  }
  func.func @transform_4(%arg0: i32) -> (i32, i32) {
    %c0_i32 = arith.constant 0 : i32
    %c0_i32_0 = arith.constant 0 : i32
    %c0_i32_1 = arith.constant 0 : i32
    return %c0_i32, %c0_i32_0 : i32, i32
  }
  func.func @transform_5(%arg0: i32) -> (i32, i32) {
    %c0_i32 = arith.constant 0 : i32
    %c0_i32_0 = arith.constant 0 : i32
    return %arg0, %c0_i32 : i32, i32
  }
}

module attributes {stable_mosaic.version = 14 : i64} {
  func.func @body(%arg0: i32, %arg1: memref<2x2000x16xf32, #tpu.memory_space<vmem>>, %arg2: memref<2000x16xf32, #tpu.memory_space<vmem>>, %arg3: memref<2000x16xf32, #tpu.memory_space<vmem>>, %arg4: memref<1x16xf32, #tpu.memory_space<vmem>>, %arg5: memref<16x16xf32, #tpu.memory_space<vmem>>, %arg6: memref<1x16xf32, #tpu.memory_space<vmem>>, %arg7: memref<2000x2xf32, #tpu.memory_space<vmem>>, %arg8: memref<2000x2xf32, #tpu.memory_space<vmem>>) attributes {dimension_semantics = [#tpu.dimension_semantics<arbitrary>], iteration_bounds = array<i64: 5>, scalar_prefetch = 0 : i64, scratch_operands = 0 : i64, tpu.core_type = #tpu.core_type<tc>, window_params = [{transform_indices = @transform_0, window_bounds = array<i64: 2, 2000, 16>}, {transform_indices = @transform_1, window_bounds = array<i64: 2000, 16>}, {transform_indices = @transform_2, window_bounds = array<i64: 2000, 16>}, {pipeline_mode = #tpu.pipeline_mode<synchronous>, transform_indices = @transform_3, window_bounds = array<i64: 1, 16>}, {pipeline_mode = #tpu.pipeline_mode<synchronous>, transform_indices = @transform_4, window_bounds = array<i64: 16, 16>}, {pipeline_mode = #tpu.pipeline_mode<synchronous>, transform_indices = @transform_5, window_bounds = array<i64: 1, 16>}, {transform_indices = @transform_6, window_bounds = array<i64: 2000, 2>}, {transform_indices = @transform_7, window_bounds = array<i64: 2000, 2>}]} {
    %get3A = arith.constant 0 : index
    %get3A_0 = arith.constant 0 : index
    %get3A_1 = vector.load %arg3[%get3A, %get3A_0] : memref<2000x16xf32, #tpu.memory_space<vmem>>, vector<2000x1xf32>
    %get3A_2 = arith.constant 0 : index
    %get3A_3 = arith.constant 0 : index
    %get3A_4 = arith.constant 0 : index
    %get3A_5 = vector.load %arg1[%get3A_2, %get3A_3, %get3A_4] : memref<2x2000x16xf32, #tpu.memory_space<vmem>>, vector<1x2000x16xf32>
    %get3A_6 = vector.shape_cast %get3A_5 : vector<1x2000x16xf32> to vector<2000x16xf32>
    %get3A_7 = arith.constant 1 : index
    %get3A_8 = arith.constant 0 : index
    %get3A_9 = arith.constant 0 : index
    %get3A_10 = vector.load %arg1[%get3A_7, %get3A_8, %get3A_9] : memref<2x2000x16xf32, #tpu.memory_space<vmem>>, vector<1x2000x16xf32>
    %get3A_11 = vector.shape_cast %get3A_10 : vector<1x2000x16xf32> to vector<2000x16xf32>
    %add3A = arith.addf %get3A_6, %get3A_11 : vector<2000x16xf32>
    %get3A_12 = arith.constant 0 : index
    %get3A_13 = arith.constant 0 : index
    %get3A_14 = vector.load %arg2[%get3A_12, %get3A_13] : memref<2000x16xf32, #tpu.memory_space<vmem>>, vector<2000x16xf32>
    %add3A_15 = arith.addf %add3A, %get3A_14 : vector<2000x16xf32>
    %mul3A = vector.broadcast %get3A_1 : vector<2000x1xf32> to vector<2000x16xf32>
    %mul3A_16 = arith.mulf %add3A_15, %mul3A : vector<2000x16xf32>
    %get3A_17 = arith.constant 0 : index
    %get3A_18 = arith.constant 0 : index
    %get3A_19 = vector.load %arg4[%get3A_17, %get3A_18] : memref<1x16xf32, #tpu.memory_space<vmem>>, vector<1x16xf32>
    %add3A_20 = vector.broadcast %get3A_19 : vector<1x16xf32> to vector<2000x16xf32>
    %add3A_21 = arith.addf %mul3A_16, %add3A_20 : vector<2000x16xf32>
    %get3A_22 = arith.constant 0 : index
    %get3A_23 = arith.constant 0 : index
    %get3A_24 = vector.load %arg5[%get3A_22, %get3A_23] : memref<16x16xf32, #tpu.memory_space<vmem>>, vector<16x16xf32>
    %dot_general3A = arith.constant dense<0.000000e+00> : vector<2000x16xf32>
    %dot_general3A_25 = tpu.matmul %add3A_21, %get3A_24, %dot_general3A {dimension_numbers = #tpu.dot_dimension_numbers<[1], [0], [0], [1], [0, 0, 1, 1], [], []>, transpose_lhs_hint = false} : vector<2000x16xf32>, vector<16x16xf32>, vector<2000x16xf32> -> vector<2000x16xf32>
    %get3A_26 = arith.constant 0 : index
    %get3A_27 = arith.constant 0 : index
    %get3A_28 = vector.load %arg6[%get3A_26, %get3A_27] : memref<1x16xf32, #tpu.memory_space<vmem>>, vector<1x16xf32>
    %add3A_29 = vector.broadcast %get3A_28 : vector<1x16xf32> to vector<2000x16xf32>
    %add3A_30 = arith.addf %dot_general3A_25, %add3A_29 : vector<2000x16xf32>
    %slice3A = vector.extract_strided_slice %add3A_21 {offsets = [0, 0], sizes = [2000, 2], strides = [1, 1]} : vector<2000x16xf32> to vector<2000x2xf32>
    %swap3A = arith.constant 0 : index
    %swap3A_31 = arith.constant 0 : index
    %swap3A_32 = vector.load %arg7[%swap3A, %swap3A_31] : memref<2000x2xf32, #tpu.memory_space<vmem>>, vector<2000x2xf32>
    tpu.vector_store %arg7[%swap3A, %swap3A_31], %slice3A {strides = array<i32>} : memref<2000x2xf32, #tpu.memory_space<vmem>>, vector<2000x2xf32>,
    %slice3A_33 = vector.extract_strided_slice %add3A_30 {offsets = [0, 0], sizes = [2000, 2], strides = [1, 1]} : vector<2000x16xf32> to vector<2000x2xf32>
    %swap3A_34 = arith.constant 0 : index
    %swap3A_35 = arith.constant 0 : index
    %swap3A_36 = vector.load %arg8[%swap3A_34, %swap3A_35] : memref<2000x2xf32, #tpu.memory_space<vmem>>, vector<2000x2xf32>
    tpu.vector_store %arg8[%swap3A_34, %swap3A_35], %slice3A_33 {strides = array<i32>} : memref<2000x2xf32, #tpu.memory_space<vmem>>, vector<2000x2xf32>,
    return
  }
  func.func @transform_0(%arg0: i32) -> (i32, i32, i32) {
    %c0_i32 = arith.constant 0 : i32
    %c0_i32_0 = arith.constant 0 : i32
    %c0_i32_1 = arith.constant 0 : i32
    return %c0_i32, %arg0, %c0_i32_0 : i32, i32, i32
  }
  func.func @transform_1(%arg0: i32) -> (i32, i32) {
    %c0_i32 = arith.constant 0 : i32
    %c0_i32_0 = arith.constant 0 : i32
    return %arg0, %c0_i32 : i32, i32
  }
  func.func @transform_2(%arg0: i32) -> (i32, i32) {
    %c0_i32 = arith.constant 0 : i32
    %c0_i32_0 = arith.constant 0 : i32
    return %arg0, %c0_i32 : i32, i32
  }
  func.func @transform_3(%arg0: i32) -> (i32, i32) {
    %c0_i32 = arith.constant 0 : i32
    %c0_i32_0 = arith.constant 0 : i32
    %c0_i32_1 = arith.constant 0 : i32
    return %c0_i32, %c0_i32_0 : i32, i32
  }
  func.func @transform_4(%arg0: i32) -> (i32, i32) {
    %c0_i32 = arith.constant 0 : i32
    %c0_i32_0 = arith.constant 0 : i32
    %c0_i32_1 = arith.constant 0 : i32
    return %c0_i32, %c0_i32_0 : i32, i32
  }
  func.func @transform_5(%arg0: i32) -> (i32, i32) {
    %c0_i32 = arith.constant 0 : i32
    %c0_i32_0 = arith.constant 0 : i32
    %c0_i32_1 = arith.constant 0 : i32
    return %c0_i32, %c0_i32_0 : i32, i32
  }
  func.func @transform_6(%arg0: i32) -> (i32, i32) {
    %c0_i32 = arith.constant 0 : i32
    %c0_i32_0 = arith.constant 0 : i32
    return %arg0, %c0_i32 : i32, i32
  }
  func.func @transform_7(%arg0: i32) -> (i32, i32) {
    %c0_i32 = arith.constant 0 : i32
    %c0_i32_0 = arith.constant 0 : i32
    return %arg0, %c0_i32 : i32, i32
  }
}

</mosaic_0001>

<sc_bundles>
// kernel: kernel.12.cloned.1.call-start
scs
__scs_entry_jumppad:
0x0: {  	(pc) =	sbr.rel $0x88, $3  }
0x1: {  	(tag) =	ssettag $0x0;
	lr =	simm.s32 $0x1  }
0x2: {  	[smem:$0x3F99] =	sst lr;
	_ =	strace $0xD0000000  }
0x3: {  	_ = 	snop  }
0x4: {  	_ = 	snop  }
0x5: {  	_ = 	snop  }
0x6: {  	_ = 	snop  }
0x7: {  	_ = 	snop  }
__scs_overlays_trampoline_lowered:
0x8: {  	[smem:$0x3FA8] =	sst s0  }
0x9: {  	[smem:$0x3FA9] =	sst s1  }
0xa: {  	[smem:$0x3FAA] =	sst s2  }
0xb: {  	[smem:$0x3FAB] =	sst s3  }
0xc: {  	[smem:$0x3FAC] =	sst s4  }
0xd: {  	[smem:$0x3FAD] =	sst s5  }
0xe: {  	[smem:$0x3FAE] =	sst s6  }
0xf: {  	[smem:$0x3FAF] =	sst s7  }
0x10: {  	[smem:$0x3FB0] =	sst s8  }
0x11: {  	[smem:$0x3FB1] =	sst s9;
	s0 =	simm.s32 @!p0 $0x0  }
0x12: {  	s1 =	sld [smem:$0x3F97];
	s0 =	simm.s32 @p0 $0x1  }
0x13: {  	[smem:$0x3FB2] =	sst s0;
	s0 =	simm.s32 @!p1 $0x0  }
0x14: {  	s2 =	sld [smem:$0x3F96];
	s0 =	simm.s32 @p1 $0x1  }
0x15: {  	[smem:$0x3FB3] =	sst s0;
	s0 =	simm.s32 @!p2 $0x0  }
0x16: {  	s3 =	sld [smem:$0x3FDB];
	s0 =	simm.s32 @p2 $0x1  }
0x17: {  	s4 =	simm.s32 $0x1BF5;
	[smem:$0x3FB5] =	sst s0  }
0x18: {  	s0 =	sld [smem:$0x3F98];
	_ =	swait.ge [sflag:s4], $0x0  }
0x19: {  	s7 =	sld [smem:$0x3F99]  }
0x1a: {  	s8 =	sadd.s32 $0xFFFFE003, lr  }
0x1b: {  	s9 =	sadd.s32 $0xFFFFFEF7, lr;
	s5 =	simm.s32 $0xFFFFFFFF;
	p2 =	slt.u32 s8, $0xFFFFF086  }
0x1c: {  	p1 =	slt.u32 s9, $0xF7A;
	s5 =	simm.s32 @!p2 $0x0  }
0x1d: {  	s5 =	simm.s32 @p1 $0x1;
	p0 =	seq.s32 s7, s2  }
0x1e: {  	s7 =	smul.u32 @!p0 $0xF7A, s2;
	p2 =	seq.s32 @!p0 s5, $0x0  }
0x1f: {  	s9 =	smul.u32 $0xF7A, s1;
	s8 =	simm.s32 @!p0 $0x1BF5;
	p2 =	por !p2, p0  }
0x20: {  	[sflag:s8] =	ssyncset.s32 @!p0 $0xFFFFF086;
	s6 =	sadd.s32 @!p0 s3, s7;
	s7 =	simm.s32 @!p0 $0x108  }
0x21: {  	s3 =	sadd.s32 s3, s9;
	s6 =	sadd.s32 @!p0 $0x88, s6;
	s7 =	simm.s32 @p2 $0x1082  }
0x22: {  	[simem:s7], [sflag:s8] =	dma.local @!p0 [hbm:s6], $0xF7A  }
0x23: {  	s9 =	sor.u32 $0xD0000000, s2;
	s6 =	simm.s32 $0x108;
	_ =	swait.ge @!p0 [sflag:s8], $0x0  }
0x24: {  	s3 =	sadd.s32 $0x88, s3;
	s6 =	simm.s32 @!p1 $0x1082;
	[sflag:s4] =	ssyncset.s32 $0xFFFFF086  }
0x25: {  	[simem:s6], [sflag:s4] =	dma.local [hbm:s3], $0xF7A  }
0x26: {  	[smem:$0x3F99] =	sst s1;
	(tag) =	ssettag s2;
	_ =	strace s9  }
0x27: {  	s1 =	sld [smem:$0x3FA9]  }
0x28: {  	s2 =	sld [smem:$0x3FAA]  }
0x29: {  	s4 =	sld [smem:$0x3FAC]  }
0x2a: {  	p0 =	seq.s32 s5, $0x0;
	s5 =	sld [smem:$0x3FAD]  }
0x2b: {  	s6 =	sld [smem:$0x3FAE]  }
0x2c: {  	s7 =	sld [smem:$0x3FAF]  }
0x2d: {  	s3 =	simm.s32 $0x108;
	s8 =	sld [smem:$0x3FB0]  }
0x2e: {  	s3 =	simm.s32 @!p0 $0x1082;
	s9 =	sld [smem:$0x3FB1]  }
0x2f: {  	lr =	sadd.s32 s0, s3;
	s0 =	sld [smem:$0x3FA8]  }
0x30: {  	s3 =	sld [smem:$0x3FAB]  }
0x31: {  	[smem:$0x3FB4] =	sst s10  }
0x32: {  	s10 =	sld [smem:$0x3FB2];
	_ =	sdelay $0x3  }
0x33: {  	p0 =	seq.s32 s10, $0x1;
	s10 =	sld [smem:$0x3FB4];
	_ =	sdelay $0x3  }
0x34: {  	[smem:$0x3FB4] =	sst s10  }
0x35: {  	s10 =	sld [smem:$0x3FB3];
	_ =	sdelay $0x3  }
0x36: {  	p1 =	seq.s32 s10, $0x1;
	s10 =	sld [smem:$0x3FB4];
	_ =	sdelay $0x3  }
0x37: {  	[smem:$0x3FB4] =	sst s10  }
0x38: {  	s10 =	sld [smem:$0x3FB5]  }
0x39: {  	_ = 	snop;
	(pc) =	sbr.ind lr, $3  }
0x3a: {  	_ = 	snop  }
0x3b: {  	_ = 	snop  }
0x3c: {  	p2 =	seq.s32 s10, $0x1;
	s10 =	sld [smem:$0x3FB4]  }
0x3d: {  	_ =	shalt  }
0x3e: {  	_ =	shalt  }
0x3f: {  	_ =	shalt  }
0x40: {  	_ =	shalt  }
0x41: {  	_ =	shalt  }
0x42: {  	_ =	shalt  }
0x43: {  	_ =	shalt  }
0x44: {  	_ =	shalt  }
0x45: {  	_ =	shalt  }
0x46: {  	_ =	shalt  }
0x47: {  	_ =	shalt  }
0x48: {  	_ =	shalt  }
0x49: {  	_ =	shalt  }
0x4a: {  	_ =	shalt  }
0x4b: {  	_ =	shalt  }
0x4c: {  	_ =	shalt  }
0x4d: {  	_ =	shalt  }
0x4e: {  	_ =	shalt  }
0x4f: {  	_ =	shalt  }
0x50: {  	_ =	shalt  }
0x51: {  	_ =	shalt  }
0x52: {  	_ =	shalt  }
0x53: {  	_ =	shalt  }
0x54: {  	_ =	shalt  }
0x55: {  	_ =	shalt  }
0x56: {  	_ =	shalt  }
0x57: {  	_ =	shalt  }
0x58: {  	_ =	shalt  }
0x59: {  	_ =	shalt  }
0x5a: {  	_ =	shalt  }
0x5b: {  	_ =	shalt  }
0x5c: {  	_ =	shalt  }
0x5d: {  	_ =	shalt  }
0x5e: {  	_ =	shalt  }
0x5f: {  	_ =	shalt  }
0x60: {  	_ =	shalt  }
0x61: {  	_ =	shalt  }
0x62: {  	_ =	shalt  }
0x63: {  	_ =	shalt  }
0x64: {  	_ =	shalt  }
0x65: {  	_ =	shalt  }
0x66: {  	_ =	shalt  }
0x67: {  	_ =	shalt  }
0x68: {  	_ =	shalt  }
0x69: {  	_ =	shalt  }
0x6a: {  	_ =	shalt  }
0x6b: {  	_ =	shalt  }
0x6c: {  	_ =	shalt  }
0x6d: {  	_ =	shalt  }
0x6e: {  	_ =	shalt  }
0x6f: {  	_ =	shalt  }
0x70: {  	_ =	shalt  }
0x71: {  	_ =	shalt  }
0x72: {  	_ =	shalt  }
0x73: {  	_ =	shalt  }
0x74: {  	_ =	shalt  }
0x75: {  	_ =	shalt  }
0x76: {  	_ =	shalt  }
0x77: {  	_ =	shalt  }
0x78: {  	_ =	shalt  }
0x79: {  	_ =	shalt  }
0x7a: {  	_ =	shalt  }
0x7b: {  	_ =	shalt  }
0x7c: {  	_ =	shalt  }
0x7d: {  	_ =	shalt  }
0x7e: {  	_ =	shalt  }
0x7f: {  	_ =	shalt  }
0x80: {  	_ =	shalt  }
0x81: {  	_ =	shalt  }
0x82: {  	_ =	shalt  }
0x83: {  	_ =	shalt  }
0x84: {  	_ =	shalt  }
0x85: {  	_ =	shalt  }
0x86: {  	_ =	shalt  }
0x87: {  	_ =	shalt  }
.Lfunc_end0:
.L_simem_size_0:
called_computation.1_lowered:
.L_overlay_start_0:
0x88: {  	s2 =	sld [smem:$0x3FD9]  }
0x89: {  	s3 =	sld [smem:$0x3FFE];
	_ =	sdelay $0x1  }
0x8a: {  	s1 =	srdreg.scid  }
0x8b: {  	s0 =	sand.u32 $0x1, s1  }
0x8c: {  	s16 =	sshll.u32 s0, $0xA;
	s2 =	sadd.s32 s3, s2  }
0x8d: {  	s2 =	sadd.s32 s2, s16  }
0x8e: {  	[smem:$0x3FC0] =	sst s2  }
0x8f: {  	_ = 	snop  }
0x90: {  	(tm) =	ssettm $0x1  }
0x91: {  	s17 =	sld [smem:$0x3FFB];
	_ =	sdelay $0x3  }
0x92: {  	_ =	strace s17  }
0x93: {  	s2 =	sld [smem:$0x3FFC];
	_ =	sdelay $0x3  }
0x94: {  	_ =	strace s2  }
0x95: {  	s2 =	sld [smem:$0x3FFD];
	_ =	sdelay $0x3  }
0x96: {  	_ =	strace s2  }
0x97: {  	_ =	strace $0x8FFFFFFF  }
0x98: {  	s18 =	sld [smem:$0x3FDB];
	_ =	sdelay $0x1  }
0x99: {  	s19 =	simm.s32 $_scs_section_size  }
0x9a: {  	s4 =	simm.s32 $_size__tile_overlayer_lowered;
	s5 =	simm.s32 $_tile_overlayer_lowered  }
0x9b: {  	s22 =	simm.s32 $0x1BFF;
	s21 =	sshll.u32 s5, $0x1;
	s2 =	sadd.s32 s19, s18  }
0x9c: {  	s6 =	simm.s32 $0x0;
	s20 =	sshll.u32 s4, $0x1;
	s4 =	sadd.s32 s21, s2  }
0x9d: {  	[timem:s6], [sflag:s22] =	dma.local [hbm:s4], s20  }
0x9e: {  	_ =	swait.ge [sflag:s22], s20  }
0x9f: {  	s3 =	ssub.s32 $0x0, s20;
	[sflag:s22] =	ssyncset.done $0x0  }
0xa0: {  	[sflag:s22] =	ssyncadd.s32 s3;
	_ =	sdelay $0x1  }
0xa1: {  	s23 =	simm.s32 $0x1B8B  }
0xa2: {  	_ =	swait.ge [sflag:s23], $0x1  }
0xa3: {  	[sflag:s23] =	ssyncset.done $0x0  }
0xa4: {  	s25 =	simm.s32 $0x1B8E;
	s24 =	sld [smem:$0x3FFE];
	[sflag:s23] =	ssyncadd.s32 $0xFFFFFFFF  }
0xa5: {  	s26 =	simm.s32 $execute0_lowered;
	[smem:$0x3FD2] =	sst s25  }
0xa6: {  	s4 =	sshll.u32 s26, $0x1;
	_ =	strace $0x80000049;
	[dreg:$0x1] =	wrdreg $0xFFFFFFFF  }
0xa7: {  	s28 =	simm.s32 $_size_execute0_lowered;
	s2 =	sadd.s32 s2, s4;
	[dreg:$0x0] =	wrdreg $0x0  }
0xa8: {  	s4 =	sshll.u32 s28, $0x1;
	[dreg:$0x2] =	wrdreg s2  }
0xa9: {  	[dreg:$0x3] =	wrdreg s4  }
0xaa: {  	[dreg:$0x4] =	wrdreg $0xC0  }
0xab: {  	_ =	task [dreg:s6], $0x5FFFF  }
0xac: {  	[dreg:$0x1] =	wrdreg $0xFFFFFFFF  }
0xad: {  	[dreg:$0x0] =	wrdreg $0x60  }
0xae: {  	[dreg:$0x2] =	wrdreg s24  }
0xaf: {  	[dreg:$0x3] =	wrdreg $0x12F200  }
0xb0: {  	[dreg:$0x4] =	wrdreg $0x9  }
0xb1: {  	_ =	task.clear_ibuf [dreg:s6], $0x5FFFF;
	_ =	strace $0x90000049  }
0xb2: {  	s29 =	simm.s32 $0x9;
	_ =	strace $0x8000004B  }
0xb3: {  	_ =	swait.ge [sflag:s29], $0x1  }
0xb4: {  	[sflag:s29] =	ssyncadd.s32 $0xFFFFFFFF  }
0xb5: {  	_ =	strace $0x9000004B  }
0xb6: {  	_ =	sfence  }
0xb7: {  	s30 =	sld [smem:$0x0];
	_ =	sdelay $0x2  }
0xb8: {  	s31 =	sshll.u32 s1, $0xD;
	s1 =	sshrl.u32 s1, $0x2  }
0xb9: {  	s3 =	sand.u32 $0x4000, s31;
	s1 =	sadd.s32 s1, s30  }
0xba: {  	s0 =	sor.u32 s3, s0;
	s1 =	sshll.u32 s1, $0x11  }
0xbb: {  	s0 =	sor.u32 s1, s0  }
0xbc: {  	s0 =	sadd.s32 $0x8F2B, s0  }
0xbd: {  	[sflag:s0] =	ssyncadd.remote.s32 $0x1  }
0xbe: {  	_ =	sfence.sel $0xFFFF  }
0xbf: {  	[dreg:$0x0] =	wrdreg $0xFFFFFFFF;
	(pc) =	sbr.abs _section_cstart, $3  }
0xc0: {  	[dreg:$0x1] =	wrdreg $0xFFFFFFFF  }
0xc1: {  	_ =	task.clear_ibuf [dreg:s6], $0x2FFFF;
	_ =	strace $0x9FFFFFFF  }
0xc2: {  	(tm) =	ssettm $0x7FFFFFFF  }
0xc3: {  	_ =	shalt  }
tec
execute0_lowered:
.L_overlay_start_1:
0x0: {  	(tag) =	ssettag $0x1  }
0x1: {  	s6 =	rddreg [dreg:$0x0]  }
0x2: {  	s0 =	srdreg.scid;
	s2 =	rddreg [dreg:$0x1]  }
0x3: {  	s3 =	simm.s32 $0x0;
	s12 =	simm.s32 $0x5;
	s13 =	simm.s32 $0x2710  }
0x4: {  	s14 =	simm.s32 $0x168;
	s15 =	simm.s32 $0xBEA0;
	s16 =	simm.s32 $0x1  }
0x5: {  	s17 =	simm.s32 $0x2;
	s18 =	simm.s32 $0x3;
	s19 =	simm.s32 $0x4  }
0x6: {  	s20 =	simm.s32 $0x48D0;
	s21 =	simm.s32 $0x4A38;
	s22 =	simm.s32 $0x2490  }
0x7: {  	s23 =	simm.s32 $0x4BA0;
	s5 =	sand.u32 $0x1, s0;
	s0 =	stileid.u32  }
0x8: {  	s24 =	simm.s32 $0x118;
	s25 =	simm.s32 $0x25F8;
	s8 =	smul.u32 $0xC580, s0  }
0x9: {  	[smem:$0x7FF] =	sst s3;
	s1 =	sshll.u32 s5, $0x4;
	s9 =	smul.u32 $0xC5800, s5  }
0xa: {  	s10 =	smul.u32 $0x31600, s0;
	s5 =	ssub.s32 $0x2, s5;
	s1 =	sor.u32 s0, s1  }
0xb: {  	s4 =	sadd.s32 $0x16000, s6;
	s28 =	sshrl.u32 s5, $0x1;
	s7 =	smul.u32 $0x2710, s1  }
0xc: {  	s1 =	rddreg [dreg:$0x2];
	_ =	strace $0x8000004A;
	s9 =	sadd.s32 s8, s9  }
0xd: {  	s29 =	sshrl.u32 s10, $0x2;
	s30 =	ssub.s32 s5, s28;
	s5 =	sadd.s32 s8, s2  }
0xe: {  	s26 =	sshrl.u32 s9, $0x3;
	s31 =	sadd.s32 s29, s2;
	s10 =	smax.u32 s30, $0x1  }
0xf: {  	s7 =	sshrl.u32 s7, $0x3;
	s9 =	sadd.s32 s26, s6;
	s26 =	simm.s32 $0x4D08  }
0x10: {  	s11 =	sadd.s32 s7, s6;
	s6 =	sadd.s32 $0x7080, s31;
	s9 =	sadd.s32 $0x2EC00, s9  }
0x11: {  	v0 =	vimm.f32 $0.0e+00;
	s7 =	sadd.s32 $0x2600, s11;
	s8 =	sadd.s32 $0xC240, s11;
	s11 =	simm.s32 $0x4E20  }
.LBB2_1:
0x12: {  	s29 =	simm.s32 $0x140;
	s28 =	simm.s32 $0x0  }
.LBB2_2:
0x13: {  	p0 =	sne.s32 s29, $0x1C0C0;
	[tilespmem:s28+$0x4E60] =	vst v0;
	s30 =	smov.u32 s29;
	s29 =	sadd.s32 $0x140, s29  }
.Ltmp0:
0x14: {  	[tilespmem:s28+$0x4E50] =	vst v0;
	(pc) =	sbr.rel @p0 .LBB2_2-.Ltmp0, $4  }
0x15: {  	[tilespmem:s28+$0x4E40] =	vst v0  }
0x16: {  	[tilespmem:s28+$0x4E20] =	vst v0  }
0x17: {  	[tilespmem:s28+$0x4E30] =	vst v0  }
0x18: {  	s28 =	sshra.s32 s30, $0x2  }
0x19: {  	[tilespmem:s28+$0x4E60] =	vst v0  }
0x1a: {  	[tilespmem:s28+$0x4E50] =	vst v0  }
0x1b: {  	[tilespmem:s28+$0x4E40] =	vst v0  }
0x1c: {  	[tilespmem:s28+$0x4E20] =	vst v0  }
0x1d: {  	[tilespmem:s28+$0x4E30] =	vst v0  }
0x1e: {  	[spmem:s5] =	stream.linear.scatter [tilespmem:s11], [sflag:$0x5], $0x7080, $0x38;
	[tilespmem:$0x1F4A0] =	vst v63  }
0x1f: {  	_ =	swait.ge [sflag:s12], $0x7080  }
0x20: {  	[sflag:s12] =	ssyncset.done $0x0  }
0x21: {  	[sflag:s12] =	ssyncadd.s32 $0xFFFF8F80  }
0x22: {  	[spmem:s6] =	stream.linear.scatter [tilespmem:s11], [sflag:$0x5], $0x5500, $0x38;
	[tilespmem:$0x1F4A0] =	vst v63  }
0x23: {  	_ =	swait.ge [sflag:s12], $0x5500  }
0x24: {  	[sflag:s12] =	ssyncset.done $0x0  }
0x25: {  	s28 =	simm.s32 $0x0;
	[sflag:s12] =	ssyncadd.s32 $0xFFFFAB00  }
0x26: {  	[tilespmem:s28], [sflag:$0x5] =	stream.linear.gather [hbm4b:s7+s28], $0x2710, $0x38;
	[tilespmem:$0x1F4A0] =	vst v63  }
0x27: {  	_ =	swait.ge [sflag:s12], $0x2710  }
0x28: {  	[sflag:s12] =	ssyncset.done $0x0  }
0x29: {  	[sflag:s12] =	ssyncadd.s32 $0xFFFFD8F0  }
0x2a: {  	[tilespmem:s13], [sflag:$0x5] =	stream.linear.gather [hbm4b:s8+s28], $0x2710, $0x38;
	[tilespmem:$0x1F4A0] =	vst v63  }
0x2b: {  	_ =	swait.ge [sflag:s12], $0x2710  }
0x2c: {  	[sflag:s12] =	ssyncset.done $0x0  }
0x2d: {  	[sflag:s12] =	ssyncadd.s32 $0xFFFFD8F0  }
0x2e: {  	[bflag:$0x0] =	sbarrier.arrive $0xFFFF  }
0x2f: {  	[tilespmem:s11], [sflag:$0x1] =	stream.indirect.gather [hbm4b:s4+s14], $0x50, s28, s14, $0xb8;
	[tilespmem:$0x1F4A0] =	vst v63  }
0x30: {  	_ = 	snop  }
0x31: {  	[tilespmem:s15], [sflag:$0x2] =	stream.indirect.gather [hbm4b:s4+s14], $0x50, s14, s14, $0xb8;
	[tilespmem:$0x1F4A0] =	vst v63  }
0x32: {  	_ =	swait.ge [sflag:s16], $0x7080  }
0x33: {  	[sflag:s16] =	ssyncset.done $0x0  }
0x34: {  	s28 =	simm.s32 $0x2710;
	[sflag:s16] =	ssyncadd.s32 $0xFFFF8F80  }
0x35: {  	[spmem:s2] =	stream.indirect.scatter.add.f32 [tilespmem:s11], [sflag:$0x3], $0x50, s28, s14, $0xb8;
	[tilespmem:$0x1F4A0] =	vst v63  }
0x36: {  	_ =	swait.ge [sflag:s17], $0x7080  }
0x37: {  	[sflag:s17] =	ssyncset.done $0x0  }
0x38: {  	s28 =	simm.s32 $0x2878;
	[sflag:s17] =	ssyncadd.s32 $0xFFFF8F80  }
0x39: {  	[spmem:s2] =	stream.indirect.scatter.add.f32 [tilespmem:s15], [sflag:$0x4], $0x50, s28, s14, $0xb8;
	[tilespmem:$0x1F4A0] =	vst v63  }
0x3a: {  	_ =	swait.ge [sflag:s18], $0x7080  }
0x3b: {  	[sflag:s18] =	ssyncset.done $0x0  }
0x3c: {  	s28 =	simm.s32 $0x2D0;
	[sflag:s18] =	ssyncadd.s32 $0xFFFF8F80  }
0x3d: {  	[tilespmem:s11], [sflag:$0x1] =	stream.indirect.gather [hbm4b:s4+s14], $0x50, s28, s14, $0xb8;
	[tilespmem:$0x1F4A0] =	vst v63  }
0x3e: {  	_ =	swait.ge [sflag:s19], $0x7080  }
0x3f: {  	[sflag:s19] =	ssyncset.done $0x0  }
0x40: {  	s29 =	simm.s32 $0x438;
	s28 =	simm.s32 $0xB40;
	[sflag:s19] =	ssyncadd.s32 $0xFFFF8F80  }
.LBB2_4:
0x41: {  	[tilespmem:s15], [sflag:$0x2] =	stream.indirect.gather [hbm4b:s4+s14], $0x50, s29, s14, $0xb8;
	[tilespmem:$0x1F4A0] =	vst v63  }
0x42: {  	s29 =	smov.u32 s28  }
0x43: {  	p0 =	sne.s32 s28, $0x7BC0;
	s28 =	sadd.s32 $0xB40, s28;
	_ =	swait.ge [sflag:s16], $0x7080  }
0x44: {  	s29 =	sshra.s32 s29, $0x2;
	[sflag:s16] =	ssyncset.done $0x0  }
0x45: {  	s30 =	sadd.s32 $0x2710, s29;
	[sflag:s16] =	ssyncadd.s32 $0xFFFF8F80  }
0x46: {  	[spmem:s2] =	stream.indirect.scatter.add.f32 [tilespmem:s11], [sflag:$0x3], $0x50, s30, s14, $0xb8;
	[tilespmem:$0x1F4A0] =	vst v63  }
0x47: {  	_ =	swait.ge [sflag:s17], $0x7080  }
0x48: {  	[sflag:s17] =	ssyncset.done $0x0  }
0x49: {  	s30 =	sadd.s32 $0x2878, s29;
	[sflag:s17] =	ssyncadd.s32 $0xFFFF8F80  }
0x4a: {  	[spmem:s2] =	stream.indirect.scatter.add.f32 [tilespmem:s15], [sflag:$0x4], $0x50, s30, s14, $0xb8;
	[tilespmem:$0x1F4A0] =	vst v63  }
0x4b: {  	_ =	swait.ge [sflag:s18], $0x7080  }
0x4c: {  	[sflag:s18] =	ssyncset.done $0x0  }
.Ltmp1:
0x4d: {  	s30 =	sadd.s32 $0x2D0, s29;
	[sflag:s18] =	ssyncadd.s32 $0xFFFF8F80;
	(pc) =	sbr.rel @p0 .LBB2_4-.Ltmp1, $4  }
0x4e: {  	[tilespmem:s11], [sflag:$0x1] =	stream.indirect.gather [hbm4b:s4+s14], $0x50, s30, s14, $0xb8;
	[tilespmem:$0x1F4A0] =	vst v63  }
0x4f: {  	_ =	swait.ge [sflag:s19], $0x7080  }
0x50: {  	[sflag:s19] =	ssyncset.done $0x0  }
0x51: {  	s29 =	sadd.s32 $0x438, s29;
	[sflag:s19] =	ssyncadd.s32 $0xFFFF8F80  }
0x52: {  	[tilespmem:s15], [sflag:$0x2] =	stream.indirect.gather [hbm4b:s4+s14], $0x50, s29, s14, $0xb8;
	[tilespmem:$0x1F4A0] =	vst v63  }
0x53: {  	_ =	swait.ge [sflag:s16], $0x7080  }
0x54: {  	[sflag:s16] =	ssyncset.done $0x0  }
0x55: {  	[sflag:s16] =	ssyncadd.s32 $0xFFFF8F80  }
0x56: {  	[spmem:s2] =	stream.indirect.scatter.add.f32 [tilespmem:s11], [sflag:$0x3], $0x50, s20, s14, $0xb8;
	[tilespmem:$0x1F4A0] =	vst v63  }
0x57: {  	_ =	swait.ge [sflag:s17], $0x7080  }
0x58: {  	[sflag:s17] =	ssyncset.done $0x0  }
0x59: {  	[sflag:s17] =	ssyncadd.s32 $0xFFFF8F80  }
0x5a: {  	[spmem:s2] =	stream.indirect.scatter.add.f32 [tilespmem:s15], [sflag:$0x4], $0x50, s21, s14, $0xb8;
	[tilespmem:$0x1F4A0] =	vst v63  }
0x5b: {  	_ =	swait.ge [sflag:s18], $0x7080  }
0x5c: {  	[sflag:s18] =	ssyncset.done $0x0  }
0x5d: {  	[sflag:s18] =	ssyncadd.s32 $0xFFFF8F80  }
0x5e: {  	_ =	swait.ge [sflag:s19], $0x7080  }
0x5f: {  	[sflag:s19] =	ssyncset.done $0x0  }
0x60: {  	[sflag:s19] =	ssyncadd.s32 $0xFFFF8F80  }
0x61: {  	[tilespmem:s11], [sflag:$0x1] =	stream.indirect.gather [hbm4b:s4+s14], $0x50, s22, s14, $0xb8;
	[tilespmem:$0x1F4A0] =	vst v63  }
0x62: {  	_ =	swait.ge [sflag:s16], $0x7080  }
0x63: {  	[sflag:s16] =	ssyncset.done $0x0  }
0x64: {  	[sflag:s16] =	ssyncadd.s32 $0xFFFF8F80  }
0x65: {  	[spmem:s2] =	stream.indirect.scatter.add.f32 [tilespmem:s11], [sflag:$0x5], $0x50, s23, s14, $0xb8;
	[tilespmem:$0x1F4A0] =	vst v63  }
0x66: {  	_ =	swait.ge [sflag:s12], $0x7080  }
0x67: {  	[sflag:s12] =	ssyncset.done $0x0  }
0x68: {  	[sflag:s12] =	ssyncadd.s32 $0xFFFF8F80  }
0x69: {  	[tilespmem:s11], [sflag:$0x1] =	stream.indirect.gather [hbm4b:s4+s24], $0x50, s25, s24, $0xb8;
	[tilespmem:$0x1F4A0] =	vst v63  }
0x6a: {  	_ =	swait.ge [sflag:s16], $0x5780  }
0x6b: {  	[sflag:s16] =	ssyncset.done $0x0  }
0x6c: {  	[sflag:s16] =	ssyncadd.s32 $0xFFFFA880  }
0x6d: {  	[spmem:s2] =	stream.indirect.scatter.add.f32 [tilespmem:s11], [sflag:$0x5], $0x50, s26, s24, $0xb8;
	[tilespmem:$0x1F4A0] =	vst v63  }
0x6e: {  	_ =	swait.ge [sflag:s12], $0x5780  }
0x6f: {  	s28 =	sshll.u32 s0, $0x6;
	s3 =	sadd.s32 $0x1, s3;
	[sflag:s12] =	ssyncset.done $0x0  }
0x70: {  	s31 =	sshrl.u32 s5, $0x3;
	p0 =	sne.s32 s3, s10;
	[sflag:s12] =	ssyncadd.s32 $0xFFFFA880  }
.Ltmp2:
0x71: {  	s28 =	sor.u32 $0x1C05, s28;
	[bflag:$0x0] =	sbarrier.arrive $0xFFFF;
	(pc) =	sbr.rel @p0 .LBB2_1-.Ltmp2, $4  }
0x72: {  	[hbm:s9], [sflag:s28] =	dma.local [spmem:s31], $0x18B0  }
0x73: {  	_ =	swait.ge [sflag:s12], $0x18B0  }
0x74: {  	[sflag:s12] =	ssyncset.done $0x0  }
0x75: {  	[sflag:s12] =	ssyncadd.s32 $0xFFFFE750  }
0x76: {  	_ =	sfence.sel $0x180000  }
0x77: {  	[bflag:$0x0] =	sbarrier.arrive $0xFFFF  }
0x78: {  	p0 =	sne.s32 s0, $0x0;
	_ =	strace $0x9000004A  }
0x79: {  	s0 =	sadd.s32 @!p0 $0x100000, s1;
	[bflag:$0x2] =	sbarrier.arrive $0xFFFF  }
0x7a: {  	[sflag:s0] =	ssyncadd.tile.s32 @!p0 $0x1;
	_ =	shalt  }
.Lfunc_end2:
_tile_overlayer_lowered:
.L_overlay_start_2:
0x7b: {  	(tag) =	ssettag $0x2  }
0x7c: {  	s0 =	rddreg [dreg:$0x0];
	s2 =	stileid.u32  }
0x7d: {  	s1 =	rddreg [dreg:$0x1];
	p0 =	sne.s32 s2, $0x0  }
0x7e: {  	s3 =	rddreg [dreg:$0x2];
	[bflag:$0x3] =	sbarrier.arrive $0xFFFF;
	s2 =	simm.s32 @!p0 $0x1C05  }
0x7f: {  	[timem:s3], [sflag:s2] =	dma.local @!p0 [hbm:s0], s1  }
0x80: {  	s0 =	simm.s32 @!p0 $0x5  }
0x81: {  	_ =	swait.ge @!p0 [sflag:s0], s1  }
0x82: {  	s1 =	ssub.s32 @!p0 $0x0, s1;
	[sflag:s0] =	ssyncset.done @!p0 $0x0  }
0x83: {  	[sflag:s0] =	ssyncadd.s32 @!p0 s1  }
0x84: {  	[bflag:$0x3] =	sbarrier.arrive $0xFFFF  }
0x85: {  	_ =	shalt  }

// kernel: kernel.15.cloned.1.call-start
scs
__scs_entry_jumppad:
0x0: {  	(pc) =	sbr.rel $0x88, $3  }
0x1: {  	(tag) =	ssettag $0x0;
	lr =	simm.s32 $0x1  }
0x2: {  	[smem:$0x3F99] =	sst lr;
	_ =	strace $0xD0000000  }
0x3: {  	_ = 	snop  }
0x4: {  	_ = 	snop  }
0x5: {  	_ = 	snop  }
0x6: {  	_ = 	snop  }
0x7: {  	_ = 	snop  }
__scs_overlays_trampoline_lowered:
0x8: {  	[smem:$0x3FA8] =	sst s0  }
0x9: {  	[smem:$0x3FA9] =	sst s1  }
0xa: {  	[smem:$0x3FAA] =	sst s2  }
0xb: {  	[smem:$0x3FAB] =	sst s3  }
0xc: {  	[smem:$0x3FAC] =	sst s4  }
0xd: {  	[smem:$0x3FAD] =	sst s5  }
0xe: {  	[smem:$0x3FAE] =	sst s6  }
0xf: {  	[smem:$0x3FAF] =	sst s7  }
0x10: {  	[smem:$0x3FB0] =	sst s8  }
0x11: {  	[smem:$0x3FB1] =	sst s9;
	s0 =	simm.s32 @!p0 $0x0  }
0x12: {  	s1 =	sld [smem:$0x3F97];
	s0 =	simm.s32 @p0 $0x1  }
0x13: {  	[smem:$0x3FB2] =	sst s0;
	s0 =	simm.s32 @!p1 $0x0  }
0x14: {  	s2 =	sld [smem:$0x3F96];
	s0 =	simm.s32 @p1 $0x1  }
0x15: {  	[smem:$0x3FB3] =	sst s0;
	s0 =	simm.s32 @!p2 $0x0  }
0x16: {  	s3 =	sld [smem:$0x3FDB];
	s0 =	simm.s32 @p2 $0x1  }
0x17: {  	s4 =	simm.s32 $0x1BF5;
	[smem:$0x3FB5] =	sst s0  }
0x18: {  	s0 =	sld [smem:$0x3F98];
	_ =	swait.ge [sflag:s4], $0x0  }
0x19: {  	s7 =	sld [smem:$0x3F99]  }
0x1a: {  	s8 =	sadd.s32 $0xFFFFE003, lr  }
0x1b: {  	s9 =	sadd.s32 $0xFFFFFEF7, lr;
	s5 =	simm.s32 $0xFFFFFFFF;
	p2 =	slt.u32 s8, $0xFFFFF086  }
0x1c: {  	p1 =	slt.u32 s9, $0xF7A;
	s5 =	simm.s32 @!p2 $0x0  }
0x1d: {  	s5 =	simm.s32 @p1 $0x1;
	p0 =	seq.s32 s7, s2  }
0x1e: {  	s7 =	smul.u32 @!p0 $0xF7A, s2;
	p2 =	seq.s32 @!p0 s5, $0x0  }
0x1f: {  	s9 =	smul.u32 $0xF7A, s1;
	s8 =	simm.s32 @!p0 $0x1BF5;
	p2 =	por !p2, p0  }
0x20: {  	[sflag:s8] =	ssyncset.s32 @!p0 $0xFFFFF086;
	s6 =	sadd.s32 @!p0 s3, s7;
	s7 =	simm.s32 @!p0 $0x108  }
0x21: {  	s3 =	sadd.s32 s3, s9;
	s6 =	sadd.s32 @!p0 $0x88, s6;
	s7 =	simm.s32 @p2 $0x1082  }
0x22: {  	[simem:s7], [sflag:s8] =	dma.local @!p0 [hbm:s6], $0xF7A  }
0x23: {  	s9 =	sor.u32 $0xD0000000, s2;
	s6 =	simm.s32 $0x108;
	_ =	swait.ge @!p0 [sflag:s8], $0x0  }
0x24: {  	s3 =	sadd.s32 $0x88, s3;
	s6 =	simm.s32 @!p1 $0x1082;
	[sflag:s4] =	ssyncset.s32 $0xFFFFF086  }
0x25: {  	[simem:s6], [sflag:s4] =	dma.local [hbm:s3], $0xF7A  }
0x26: {  	[smem:$0x3F99] =	sst s1;
	(tag) =	ssettag s2;
	_ =	strace s9  }
0x27: {  	s1 =	sld [smem:$0x3FA9]  }
0x28: {  	s2 =	sld [smem:$0x3FAA]  }
0x29: {  	s4 =	sld [smem:$0x3FAC]  }
0x2a: {  	p0 =	seq.s32 s5, $0x0;
	s5 =	sld [smem:$0x3FAD]  }
0x2b: {  	s6 =	sld [smem:$0x3FAE]  }
0x2c: {  	s7 =	sld [smem:$0x3FAF]  }
0x2d: {  	s3 =	simm.s32 $0x108;
	s8 =	sld [smem:$0x3FB0]  }
0x2e: {  	s3 =	simm.s32 @!p0 $0x1082;
	s9 =	sld [smem:$0x3FB1]  }
0x2f: {  	lr =	sadd.s32 s0, s3;
	s0 =	sld [smem:$0x3FA8]  }
0x30: {  	s3 =	sld [smem:$0x3FAB]  }
0x31: {  	[smem:$0x3FB4] =	sst s10  }
0x32: {  	s10 =	sld [smem:$0x3FB2];
	_ =	sdelay $0x3  }
0x33: {  	p0 =	seq.s32 s10, $0x1;
	s10 =	sld [smem:$0x3FB4];
	_ =	sdelay $0x3  }
0x34: {  	[smem:$0x3FB4] =	sst s10  }
0x35: {  	s10 =	sld [smem:$0x3FB3];
	_ =	sdelay $0x3  }
0x36: {  	p1 =	seq.s32 s10, $0x1;
	s10 =	sld [smem:$0x3FB4];
	_ =	sdelay $0x3  }
0x37: {  	[smem:$0x3FB4] =	sst s10  }
0x38: {  	s10 =	sld [smem:$0x3FB5]  }
0x39: {  	_ = 	snop;
	(pc) =	sbr.ind lr, $3  }
0x3a: {  	_ = 	snop  }
0x3b: {  	_ = 	snop  }
0x3c: {  	p2 =	seq.s32 s10, $0x1;
	s10 =	sld [smem:$0x3FB4]  }
0x3d: {  	_ =	shalt  }
0x3e: {  	_ =	shalt  }
0x3f: {  	_ =	shalt  }
0x40: {  	_ =	shalt  }
0x41: {  	_ =	shalt  }
0x42: {  	_ =	shalt  }
0x43: {  	_ =	shalt  }
0x44: {  	_ =	shalt  }
0x45: {  	_ =	shalt  }
0x46: {  	_ =	shalt  }
0x47: {  	_ =	shalt  }
0x48: {  	_ =	shalt  }
0x49: {  	_ =	shalt  }
0x4a: {  	_ =	shalt  }
0x4b: {  	_ =	shalt  }
0x4c: {  	_ =	shalt  }
0x4d: {  	_ =	shalt  }
0x4e: {  	_ =	shalt  }
0x4f: {  	_ =	shalt  }
0x50: {  	_ =	shalt  }
0x51: {  	_ =	shalt  }
0x52: {  	_ =	shalt  }
0x53: {  	_ =	shalt  }
0x54: {  	_ =	shalt  }
0x55: {  	_ =	shalt  }
0x56: {  	_ =	shalt  }
0x57: {  	_ =	shalt  }
0x58: {  	_ =	shalt  }
0x59: {  	_ =	shalt  }
0x5a: {  	_ =	shalt  }
0x5b: {  	_ =	shalt  }
0x5c: {  	_ =	shalt  }
0x5d: {  	_ =	shalt  }
0x5e: {  	_ =	shalt  }
0x5f: {  	_ =	shalt  }
0x60: {  	_ =	shalt  }
0x61: {  	_ =	shalt  }
0x62: {  	_ =	shalt  }
0x63: {  	_ =	shalt  }
0x64: {  	_ =	shalt  }
0x65: {  	_ =	shalt  }
0x66: {  	_ =	shalt  }
0x67: {  	_ =	shalt  }
0x68: {  	_ =	shalt  }
0x69: {  	_ =	shalt  }
0x6a: {  	_ =	shalt  }
0x6b: {  	_ =	shalt  }
0x6c: {  	_ =	shalt  }
0x6d: {  	_ =	shalt  }
0x6e: {  	_ =	shalt  }
0x6f: {  	_ =	shalt  }
0x70: {  	_ =	shalt  }
0x71: {  	_ =	shalt  }
0x72: {  	_ =	shalt  }
0x73: {  	_ =	shalt  }
0x74: {  	_ =	shalt  }
0x75: {  	_ =	shalt  }
0x76: {  	_ =	shalt  }
0x77: {  	_ =	shalt  }
0x78: {  	_ =	shalt  }
0x79: {  	_ =	shalt  }
0x7a: {  	_ =	shalt  }
0x7b: {  	_ =	shalt  }
0x7c: {  	_ =	shalt  }
0x7d: {  	_ =	shalt  }
0x7e: {  	_ =	shalt  }
0x7f: {  	_ =	shalt  }
0x80: {  	_ =	shalt  }
0x81: {  	_ =	shalt  }
0x82: {  	_ =	shalt  }
0x83: {  	_ =	shalt  }
0x84: {  	_ =	shalt  }
0x85: {  	_ =	shalt  }
0x86: {  	_ =	shalt  }
0x87: {  	_ =	shalt  }
.Lfunc_end0:
.L_simem_size_0:
called_computation.2_lowered:
.L_overlay_start_0:
0x88: {  	s2 =	sld [smem:$0x3FD9]  }
0x89: {  	s3 =	sld [smem:$0x3FFE];
	_ =	sdelay $0x1  }
0x8a: {  	s1 =	srdreg.scid  }
0x8b: {  	s0 =	sand.u32 $0x1, s1  }
0x8c: {  	s16 =	sshll.u32 s0, $0xA;
	s2 =	sadd.s32 s3, s2  }
0x8d: {  	s2 =	sadd.s32 s2, s16  }
0x8e: {  	[smem:$0x3FC0] =	sst s2  }
0x8f: {  	_ = 	snop  }
0x90: {  	(tm) =	ssettm $0x1  }
0x91: {  	s17 =	sld [smem:$0x3FFB];
	_ =	sdelay $0x3  }
0x92: {  	_ =	strace s17  }
0x93: {  	s2 =	sld [smem:$0x3FFC];
	_ =	sdelay $0x3  }
0x94: {  	_ =	strace s2  }
0x95: {  	s2 =	sld [smem:$0x3FFD];
	_ =	sdelay $0x3  }
0x96: {  	_ =	strace s2  }
0x97: {  	_ =	strace $0x8FFFFFFF  }
0x98: {  	s18 =	sld [smem:$0x3FDB];
	_ =	sdelay $0x1  }
0x99: {  	s19 =	simm.s32 $_scs_section_size  }
0x9a: {  	s4 =	simm.s32 $_size__tile_overlayer_lowered;
	s5 =	simm.s32 $_tile_overlayer_lowered  }
0x9b: {  	s22 =	simm.s32 $0x1BFF;
	s21 =	sshll.u32 s5, $0x1;
	s2 =	sadd.s32 s19, s18  }
0x9c: {  	s6 =	simm.s32 $0x0;
	s20 =	sshll.u32 s4, $0x1;
	s4 =	sadd.s32 s21, s2  }
0x9d: {  	[timem:s6], [sflag:s22] =	dma.local [hbm:s4], s20  }
0x9e: {  	_ =	swait.ge [sflag:s22], s20  }
0x9f: {  	s3 =	ssub.s32 $0x0, s20;
	[sflag:s22] =	ssyncset.done $0x0  }
0xa0: {  	[sflag:s22] =	ssyncadd.s32 s3;
	_ =	sdelay $0x1  }
0xa1: {  	s23 =	simm.s32 $0x1B8B  }
0xa2: {  	_ =	swait.ge [sflag:s23], $0x1  }
0xa3: {  	[sflag:s23] =	ssyncset.done $0x0  }
0xa4: {  	s25 =	simm.s32 $0x1B8E;
	s24 =	sld [smem:$0x3FFE];
	[sflag:s23] =	ssyncadd.s32 $0xFFFFFFFF  }
0xa5: {  	s26 =	simm.s32 $execute0_lowered;
	[smem:$0x3FD2] =	sst s25  }
0xa6: {  	s4 =	sshll.u32 s26, $0x1;
	_ =	strace $0x8000004C;
	[dreg:$0x1] =	wrdreg $0xFFFFFFFF  }
0xa7: {  	s28 =	simm.s32 $_size_execute0_lowered;
	s2 =	sadd.s32 s2, s4;
	[dreg:$0x0] =	wrdreg $0x0  }
0xa8: {  	s4 =	sshll.u32 s28, $0x1;
	[dreg:$0x2] =	wrdreg s2  }
0xa9: {  	[dreg:$0x3] =	wrdreg s4  }
0xaa: {  	[dreg:$0x4] =	wrdreg $0xC0  }
0xab: {  	_ =	task [dreg:s6], $0x5FFFF  }
0xac: {  	[dreg:$0x1] =	wrdreg $0xFFFFFFFF  }
0xad: {  	[dreg:$0x0] =	wrdreg $0x60  }
0xae: {  	[dreg:$0x2] =	wrdreg s24  }
0xaf: {  	[dreg:$0x3] =	wrdreg $0x7B200  }
0xb0: {  	[dreg:$0x4] =	wrdreg $0x9  }
0xb1: {  	_ =	task.clear_ibuf [dreg:s6], $0x5FFFF;
	_ =	strace $0x9000004C  }
0xb2: {  	s29 =	simm.s32 $0x9;
	_ =	strace $0x8000004E  }
0xb3: {  	_ =	swait.ge [sflag:s29], $0x1  }
0xb4: {  	[sflag:s29] =	ssyncadd.s32 $0xFFFFFFFF  }
0xb5: {  	_ =	strace $0x9000004E  }
0xb6: {  	_ =	sfence  }
0xb7: {  	s30 =	sld [smem:$0x0];
	_ =	sdelay $0x2  }
0xb8: {  	s31 =	sshll.u32 s1, $0xD;
	s1 =	sshrl.u32 s1, $0x2  }
0xb9: {  	s3 =	sand.u32 $0x4000, s31;
	s1 =	sadd.s32 s1, s30  }
0xba: {  	s0 =	sor.u32 s3, s0;
	s1 =	sshll.u32 s1, $0x11  }
0xbb: {  	s0 =	sor.u32 s1, s0  }
0xbc: {  	s0 =	sadd.s32 $0x8F2B, s0  }
0xbd: {  	[sflag:s0] =	ssyncadd.remote.s32 $0x1  }
0xbe: {  	_ =	sfence.sel $0xFFFF  }
0xbf: {  	[dreg:$0x0] =	wrdreg $0xFFFFFFFF;
	(pc) =	sbr.abs _section_cstart, $3  }
0xc0: {  	[dreg:$0x1] =	wrdreg $0xFFFFFFFF  }
0xc1: {  	_ =	task.clear_ibuf [dreg:s6], $0x2FFFF;
	_ =	strace $0x9FFFFFFF  }
0xc2: {  	(tm) =	ssettm $0x7FFFFFFF  }
0xc3: {  	_ =	shalt  }
tec
execute0_lowered:
.L_overlay_start_1:
0x0: {  	(tag) =	ssettag $0x1  }
0x1: {  	s6 =	rddreg [dreg:$0x0]  }
0x2: {  	s0 =	srdreg.scid;
	s2 =	rddreg [dreg:$0x1]  }
0x3: {  	s3 =	simm.s32 $0x0;
	s12 =	simm.s32 $0x5;
	s13 =	simm.s32 $0x2710  }
0x4: {  	s14 =	simm.s32 $0x168;
	s15 =	simm.s32 $0x64A0;
	s16 =	simm.s32 $0x1  }
0x5: {  	s17 =	simm.s32 $0x2;
	s18 =	simm.s32 $0x3;
	s19 =	simm.s32 $0x4  }
0x6: {  	s20 =	simm.s32 $0x48D0;
	s21 =	simm.s32 $0x4A38;
	s22 =	simm.s32 $0x2490  }
0x7: {  	s23 =	simm.s32 $0x4BA0;
	s5 =	sand.u32 $0x1, s0;
	s0 =	stileid.u32  }
0x8: {  	s24 =	simm.s32 $0x118;
	s25 =	simm.s32 $0x25F8;
	s8 =	smul.u32 $0x2780, s0  }
0x9: {  	[smem:$0x7FF] =	sst s3;
	s1 =	sshll.u32 s5, $0x4;
	s9 =	smul.u32 $0x27800, s5  }
0xa: {  	s10 =	smul.u32 $0x9E00, s0;
	s5 =	ssub.s32 $0x2, s5;
	s1 =	sor.u32 s0, s1  }
0xb: {  	s4 =	sadd.s32 $0x16000, s6;
	s28 =	sshrl.u32 s5, $0x1;
	s7 =	smul.u32 $0x2710, s1  }
0xc: {  	s1 =	rddreg [dreg:$0x2];
	_ =	strace $0x8000004D;
	s9 =	sadd.s32 s8, s9  }
0xd: {  	s29 =	sshrl.u32 s10, $0x2;
	s30 =	ssub.s32 s5, s28;
	s5 =	sadd.s32 s8, s2  }
0xe: {  	s26 =	sshrl.u32 s9, $0x3;
	s31 =	sadd.s32 s29, s2;
	s10 =	smax.u32 s30, $0x1  }
0xf: {  	s7 =	sshrl.u32 s7, $0x3;
	s9 =	sadd.s32 s26, s6;
	s26 =	simm.s32 $0x4D08  }
0x10: {  	s11 =	sadd.s32 s7, s6;
	s6 =	sadd.s32 $0x1680, s31;
	s9 =	sadd.s32 $0x1B000, s9  }
0x11: {  	v0 =	vimm.f32 $0.0e+00;
	s7 =	sadd.s32 $0x2600, s11;
	s8 =	sadd.s32 $0xC240, s11;
	s11 =	simm.s32 $0x4E20  }
.LBB2_1:
0x12: {  	s28 =	simm.s32 $0x40;
	s29 =	simm.s32 $0x0  }
.LBB2_2:
0x13: {  	p0 =	sne.s32 s28, $0x59C0;
	[tilespmem:s29+$0x4E20] =	vst v0;
	s29 =	smov.u32 s28;
	s28 =	sadd.s32 $0x40, s28  }
.Ltmp0:
0x14: {  	(pc) =	sbr.rel @p0 .LBB2_2-.Ltmp0, $2  }
0x15: {  	_ =	sdelay $0x2  }
0x16: {  	s29 =	sshra.s32 s29, $0x2  }
0x17: {  	[tilespmem:s29+$0x4E20] =	vst v0  }
0x18: {  	[spmem:s5] =	stream.linear.scatter [tilespmem:s11], [sflag:$0x5], $0x1680, $0x38;
	[tilespmem:$0xA2A0] =	vst v63  }
0x19: {  	_ =	swait.ge [sflag:s12], $0x1680  }
0x1a: {  	[sflag:s12] =	ssyncset.done $0x0  }
0x1b: {  	[sflag:s12] =	ssyncadd.s32 $0xFFFFE980  }
0x1c: {  	[spmem:s6] =	stream.linear.scatter [tilespmem:s11], [sflag:$0x5], $0x1100, $0x38;
	[tilespmem:$0xA2A0] =	vst v63  }
0x1d: {  	_ =	swait.ge [sflag:s12], $0x1100  }
0x1e: {  	[sflag:s12] =	ssyncset.done $0x0  }
0x1f: {  	s28 =	simm.s32 $0x0;
	[sflag:s12] =	ssyncadd.s32 $0xFFFFEF00  }
0x20: {  	[tilespmem:s28], [sflag:$0x5] =	stream.linear.gather [hbm4b:s7+s28], $0x2710, $0x38;
	[tilespmem:$0xA2A0] =	vst v63  }
0x21: {  	_ =	swait.ge [sflag:s12], $0x2710  }
0x22: {  	[sflag:s12] =	ssyncset.done $0x0  }
0x23: {  	[sflag:s12] =	ssyncadd.s32 $0xFFFFD8F0  }
0x24: {  	[tilespmem:s13], [sflag:$0x5] =	stream.linear.gather [hbm4b:s8+s28], $0x2710, $0x38;
	[tilespmem:$0xA2A0] =	vst v63  }
0x25: {  	_ =	swait.ge [sflag:s12], $0x2710  }
0x26: {  	[sflag:s12] =	ssyncset.done $0x0  }
0x27: {  	[sflag:s12] =	ssyncadd.s32 $0xFFFFD8F0  }
0x28: {  	[bflag:$0x0] =	sbarrier.arrive $0xFFFF  }
0x29: {  	[tilespmem:s11], [sflag:$0x1] =	stream.indirect.gather [hbm4b:s4+s14], $0x10, s28, s14, $0xb8;
	[tilespmem:$0xA2A0] =	vst v63  }
0x2a: {  	_ = 	snop  }
0x2b: {  	[tilespmem:s15], [sflag:$0x2] =	stream.indirect.gather [hbm4b:s4+s14], $0x10, s14, s14, $0xb8;
	[tilespmem:$0xA2A0] =	vst v63  }
0x2c: {  	_ =	swait.ge [sflag:s16], $0x1680  }
0x2d: {  	[sflag:s16] =	ssyncset.done $0x0  }
0x2e: {  	s28 =	simm.s32 $0x2710;
	[sflag:s16] =	ssyncadd.s32 $0xFFFFE980  }
0x2f: {  	[spmem:s2] =	stream.indirect.scatter.add.f32 [tilespmem:s11], [sflag:$0x3], $0x10, s28, s14, $0xb8;
	[tilespmem:$0xA2A0] =	vst v63  }
0x30: {  	_ =	swait.ge [sflag:s17], $0x1680  }
0x31: {  	[sflag:s17] =	ssyncset.done $0x0  }
0x32: {  	s28 =	simm.s32 $0x2878;
	[sflag:s17] =	ssyncadd.s32 $0xFFFFE980  }
0x33: {  	[spmem:s2] =	stream.indirect.scatter.add.f32 [tilespmem:s15], [sflag:$0x4], $0x10, s28, s14, $0xb8;
	[tilespmem:$0xA2A0] =	vst v63  }
0x34: {  	_ =	swait.ge [sflag:s18], $0x1680  }
0x35: {  	[sflag:s18] =	ssyncset.done $0x0  }
0x36: {  	s28 =	simm.s32 $0x2D0;
	[sflag:s18] =	ssyncadd.s32 $0xFFFFE980  }
0x37: {  	[tilespmem:s11], [sflag:$0x1] =	stream.indirect.gather [hbm4b:s4+s14], $0x10, s28, s14, $0xb8;
	[tilespmem:$0xA2A0] =	vst v63  }
0x38: {  	_ =	swait.ge [sflag:s19], $0x1680  }
0x39: {  	[sflag:s19] =	ssyncset.done $0x0  }
0x3a: {  	s29 =	simm.s32 $0x438;
	s28 =	simm.s32 $0xB40;
	[sflag:s19] =	ssyncadd.s32 $0xFFFFE980  }
.LBB2_4:
0x3b: {  	[tilespmem:s15], [sflag:$0x2] =	stream.indirect.gather [hbm4b:s4+s14], $0x10, s29, s14, $0xb8;
	[tilespmem:$0xA2A0] =	vst v63  }
0x3c: {  	s29 =	smov.u32 s28  }
0x3d: {  	p0 =	sne.s32 s28, $0x7BC0;
	s28 =	sadd.s32 $0xB40, s28;
	_ =	swait.ge [sflag:s16], $0x1680  }
0x3e: {  	s29 =	sshra.s32 s29, $0x2;
	[sflag:s16] =	ssyncset.done $0x0  }
0x3f: {  	s30 =	sadd.s32 $0x2710, s29;
	[sflag:s16] =	ssyncadd.s32 $0xFFFFE980  }
0x40: {  	[spmem:s2] =	stream.indirect.scatter.add.f32 [tilespmem:s11], [sflag:$0x3], $0x10, s30, s14, $0xb8;
	[tilespmem:$0xA2A0] =	vst v63  }
0x41: {  	_ =	swait.ge [sflag:s17], $0x1680  }
0x42: {  	[sflag:s17] =	ssyncset.done $0x0  }
0x43: {  	s30 =	sadd.s32 $0x2878, s29;
	[sflag:s17] =	ssyncadd.s32 $0xFFFFE980  }
0x44: {  	[spmem:s2] =	stream.indirect.scatter.add.f32 [tilespmem:s15], [sflag:$0x4], $0x10, s30, s14, $0xb8;
	[tilespmem:$0xA2A0] =	vst v63  }
0x45: {  	_ =	swait.ge [sflag:s18], $0x1680  }
0x46: {  	[sflag:s18] =	ssyncset.done $0x0  }
.Ltmp1:
0x47: {  	s30 =	sadd.s32 $0x2D0, s29;
	[sflag:s18] =	ssyncadd.s32 $0xFFFFE980;
	(pc) =	sbr.rel @p0 .LBB2_4-.Ltmp1, $4  }
0x48: {  	[tilespmem:s11], [sflag:$0x1] =	stream.indirect.gather [hbm4b:s4+s14], $0x10, s30, s14, $0xb8;
	[tilespmem:$0xA2A0] =	vst v63  }
0x49: {  	_ =	swait.ge [sflag:s19], $0x1680  }
0x4a: {  	[sflag:s19] =	ssyncset.done $0x0  }
0x4b: {  	s29 =	sadd.s32 $0x438, s29;
	[sflag:s19] =	ssyncadd.s32 $0xFFFFE980  }
0x4c: {  	[tilespmem:s15], [sflag:$0x2] =	stream.indirect.gather [hbm4b:s4+s14], $0x10, s29, s14, $0xb8;
	[tilespmem:$0xA2A0] =	vst v63  }
0x4d: {  	_ =	swait.ge [sflag:s16], $0x1680  }
0x4e: {  	[sflag:s16] =	ssyncset.done $0x0  }
0x4f: {  	[sflag:s16] =	ssyncadd.s32 $0xFFFFE980  }
0x50: {  	[spmem:s2] =	stream.indirect.scatter.add.f32 [tilespmem:s11], [sflag:$0x3], $0x10, s20, s14, $0xb8;
	[tilespmem:$0xA2A0] =	vst v63  }
0x51: {  	_ =	swait.ge [sflag:s17], $0x1680  }
0x52: {  	[sflag:s17] =	ssyncset.done $0x0  }
0x53: {  	[sflag:s17] =	ssyncadd.s32 $0xFFFFE980  }
0x54: {  	[spmem:s2] =	stream.indirect.scatter.add.f32 [tilespmem:s15], [sflag:$0x4], $0x10, s21, s14, $0xb8;
	[tilespmem:$0xA2A0] =	vst v63  }
0x55: {  	_ =	swait.ge [sflag:s18], $0x1680  }
0x56: {  	[sflag:s18] =	ssyncset.done $0x0  }
0x57: {  	[sflag:s18] =	ssyncadd.s32 $0xFFFFE980  }
0x58: {  	_ =	swait.ge [sflag:s19], $0x1680  }
0x59: {  	[sflag:s19] =	ssyncset.done $0x0  }
0x5a: {  	[sflag:s19] =	ssyncadd.s32 $0xFFFFE980  }
0x5b: {  	[tilespmem:s11], [sflag:$0x1] =	stream.indirect.gather [hbm4b:s4+s14], $0x10, s22, s14, $0xb8;
	[tilespmem:$0xA2A0] =	vst v63  }
0x5c: {  	_ =	swait.ge [sflag:s16], $0x1680  }
0x5d: {  	[sflag:s16] =	ssyncset.done $0x0  }
0x5e: {  	[sflag:s16] =	ssyncadd.s32 $0xFFFFE980  }
0x5f: {  	[spmem:s2] =	stream.indirect.scatter.add.f32 [tilespmem:s11], [sflag:$0x5], $0x10, s23, s14, $0xb8;
	[tilespmem:$0xA2A0] =	vst v63  }
0x60: {  	_ =	swait.ge [sflag:s12], $0x1680  }
0x61: {  	[sflag:s12] =	ssyncset.done $0x0  }
0x62: {  	[sflag:s12] =	ssyncadd.s32 $0xFFFFE980  }
0x63: {  	[tilespmem:s11], [sflag:$0x1] =	stream.indirect.gather [hbm4b:s4+s24], $0x10, s25, s24, $0xb8;
	[tilespmem:$0xA2A0] =	vst v63  }
0x64: {  	_ =	swait.ge [sflag:s16], $0x1180  }
0x65: {  	[sflag:s16] =	ssyncset.done $0x0  }
0x66: {  	[sflag:s16] =	ssyncadd.s32 $0xFFFFEE80  }
0x67: {  	[spmem:s2] =	stream.indirect.scatter.add.f32 [tilespmem:s11], [sflag:$0x5], $0x10, s26, s24, $0xb8;
	[tilespmem:$0xA2A0] =	vst v63  }
0x68: {  	_ =	swait.ge [sflag:s12], $0x1180  }
0x69: {  	s28 =	sshll.u32 s0, $0x6;
	s3 =	sadd.s32 $0x1, s3;
	[sflag:s12] =	ssyncset.done $0x0  }
0x6a: {  	s31 =	sshrl.u32 s5, $0x3;
	p0 =	sne.s32 s3, s10;
	[sflag:s12] =	ssyncadd.s32 $0xFFFFEE80  }
.Ltmp2:
0x6b: {  	s28 =	sor.u32 $0x1C05, s28;
	[bflag:$0x0] =	sbarrier.arrive $0xFFFF;
	(pc) =	sbr.rel @p0 .LBB2_1-.Ltmp2, $4  }
0x6c: {  	[hbm:s9], [sflag:s28] =	dma.local [spmem:s31], $0x4F0  }
0x6d: {  	_ =	swait.ge [sflag:s12], $0x4F0  }
0x6e: {  	[sflag:s12] =	ssyncset.done $0x0  }
0x6f: {  	[sflag:s12] =	ssyncadd.s32 $0xFFFFFB10  }
0x70: {  	_ =	sfence.sel $0x180000  }
0x71: {  	[bflag:$0x0] =	sbarrier.arrive $0xFFFF  }
0x72: {  	p0 =	sne.s32 s0, $0x0;
	_ =	strace $0x9000004D  }
0x73: {  	s0 =	sadd.s32 @!p0 $0x100000, s1;
	[bflag:$0x2] =	sbarrier.arrive $0xFFFF  }
0x74: {  	[sflag:s0] =	ssyncadd.tile.s32 @!p0 $0x1;
	_ =	shalt  }
.Lfunc_end2:
_tile_overlayer_lowered:
.L_overlay_start_2:
0x75: {  	(tag) =	ssettag $0x2  }
0x76: {  	s0 =	rddreg [dreg:$0x0];
	s2 =	stileid.u32  }
0x77: {  	s1 =	rddreg [dreg:$0x1];
	p0 =	sne.s32 s2, $0x0  }
0x78: {  	s3 =	rddreg [dreg:$0x2];
	[bflag:$0x3] =	sbarrier.arrive $0xFFFF;
	s2 =	simm.s32 @!p0 $0x1C05  }
0x79: {  	[timem:s3], [sflag:s2] =	dma.local @!p0 [hbm:s0], s1  }
0x7a: {  	s0 =	simm.s32 @!p0 $0x5  }
0x7b: {  	_ =	swait.ge @!p0 [sflag:s0], s1  }
0x7c: {  	s1 =	ssub.s32 @!p0 $0x0, s1;
	[sflag:s0] =	ssyncset.done @!p0 $0x0  }
0x7d: {  	[sflag:s0] =	ssyncadd.s32 @!p0 s1  }
0x7e: {  	[bflag:$0x3] =	sbarrier.arrive $0xFFFF  }
0x7f: {  	_ =	shalt  }

// kernel: kernel.9.cloned.1.call-start
scs
__scs_entry_jumppad:
0x0: {  	(pc) =	sbr.rel $0x88, $3  }
0x1: {  	(tag) =	ssettag $0x0;
	lr =	simm.s32 $0x1  }
0x2: {  	[smem:$0x3F99] =	sst lr;
	_ =	strace $0xD0000000  }
0x3: {  	_ = 	snop  }
0x4: {  	_ = 	snop  }
0x5: {  	_ = 	snop  }
0x6: {  	_ = 	snop  }
0x7: {  	_ = 	snop  }
__scs_overlays_trampoline_lowered:
0x8: {  	[smem:$0x3FA8] =	sst s0  }
0x9: {  	[smem:$0x3FA9] =	sst s1  }
0xa: {  	[smem:$0x3FAA] =	sst s2  }
0xb: {  	[smem:$0x3FAB] =	sst s3  }
0xc: {  	[smem:$0x3FAC] =	sst s4  }
0xd: {  	[smem:$0x3FAD] =	sst s5  }
0xe: {  	[smem:$0x3FAE] =	sst s6  }
0xf: {  	[smem:$0x3FAF] =	sst s7  }
0x10: {  	[smem:$0x3FB0] =	sst s8  }
0x11: {  	[smem:$0x3FB1] =	sst s9;
	s0 =	simm.s32 @!p0 $0x0  }
0x12: {  	s1 =	sld [smem:$0x3F97];
	s0 =	simm.s32 @p0 $0x1  }
0x13: {  	[smem:$0x3FB2] =	sst s0;
	s0 =	simm.s32 @!p1 $0x0  }
0x14: {  	s2 =	sld [smem:$0x3F96];
	s0 =	simm.s32 @p1 $0x1  }
0x15: {  	[smem:$0x3FB3] =	sst s0;
	s0 =	simm.s32 @!p2 $0x0  }
0x16: {  	s3 =	sld [smem:$0x3FDB];
	s0 =	simm.s32 @p2 $0x1  }
0x17: {  	s4 =	simm.s32 $0x1BF5;
	[smem:$0x3FB5] =	sst s0  }
0x18: {  	s0 =	sld [smem:$0x3F98];
	_ =	swait.ge [sflag:s4], $0x0  }
0x19: {  	s7 =	sld [smem:$0x3F99]  }
0x1a: {  	s8 =	sadd.s32 $0xFFFFE003, lr  }
0x1b: {  	s9 =	sadd.s32 $0xFFFFFEF7, lr;
	s5 =	simm.s32 $0xFFFFFFFF;
	p2 =	slt.u32 s8, $0xFFFFF086  }
0x1c: {  	p1 =	slt.u32 s9, $0xF7A;
	s5 =	simm.s32 @!p2 $0x0  }
0x1d: {  	s5 =	simm.s32 @p1 $0x1;
	p0 =	seq.s32 s7, s2  }
0x1e: {  	s7 =	smul.u32 @!p0 $0xF7A, s2;
	p2 =	seq.s32 @!p0 s5, $0x0  }
0x1f: {  	s9 =	smul.u32 $0xF7A, s1;
	s8 =	simm.s32 @!p0 $0x1BF5;
	p2 =	por !p2, p0  }
0x20: {  	[sflag:s8] =	ssyncset.s32 @!p0 $0xFFFFF086;
	s6 =	sadd.s32 @!p0 s3, s7;
	s7 =	simm.s32 @!p0 $0x108  }
0x21: {  	s3 =	sadd.s32 s3, s9;
	s6 =	sadd.s32 @!p0 $0x88, s6;
	s7 =	simm.s32 @p2 $0x1082  }
0x22: {  	[simem:s7], [sflag:s8] =	dma.local @!p0 [hbm:s6], $0xF7A  }
0x23: {  	s9 =	sor.u32 $0xD0000000, s2;
	s6 =	simm.s32 $0x108;
	_ =	swait.ge @!p0 [sflag:s8], $0x0  }
0x24: {  	s3 =	sadd.s32 $0x88, s3;
	s6 =	simm.s32 @!p1 $0x1082;
	[sflag:s4] =	ssyncset.s32 $0xFFFFF086  }
0x25: {  	[simem:s6], [sflag:s4] =	dma.local [hbm:s3], $0xF7A  }
0x26: {  	[smem:$0x3F99] =	sst s1;
	(tag) =	ssettag s2;
	_ =	strace s9  }
0x27: {  	s1 =	sld [smem:$0x3FA9]  }
0x28: {  	s2 =	sld [smem:$0x3FAA]  }
0x29: {  	s4 =	sld [smem:$0x3FAC]  }
0x2a: {  	p0 =	seq.s32 s5, $0x0;
	s5 =	sld [smem:$0x3FAD]  }
0x2b: {  	s6 =	sld [smem:$0x3FAE]  }
0x2c: {  	s7 =	sld [smem:$0x3FAF]  }
0x2d: {  	s3 =	simm.s32 $0x108;
	s8 =	sld [smem:$0x3FB0]  }
0x2e: {  	s3 =	simm.s32 @!p0 $0x1082;
	s9 =	sld [smem:$0x3FB1]  }
0x2f: {  	lr =	sadd.s32 s0, s3;
	s0 =	sld [smem:$0x3FA8]  }
0x30: {  	s3 =	sld [smem:$0x3FAB]  }
0x31: {  	[smem:$0x3FB4] =	sst s10  }
0x32: {  	s10 =	sld [smem:$0x3FB2];
	_ =	sdelay $0x3  }
0x33: {  	p0 =	seq.s32 s10, $0x1;
	s10 =	sld [smem:$0x3FB4];
	_ =	sdelay $0x3  }
0x34: {  	[smem:$0x3FB4] =	sst s10  }
0x35: {  	s10 =	sld [smem:$0x3FB3];
	_ =	sdelay $0x3  }
0x36: {  	p1 =	seq.s32 s10, $0x1;
	s10 =	sld [smem:$0x3FB4];
	_ =	sdelay $0x3  }
0x37: {  	[smem:$0x3FB4] =	sst s10  }
0x38: {  	s10 =	sld [smem:$0x3FB5]  }
0x39: {  	_ = 	snop;
	(pc) =	sbr.ind lr, $3  }
0x3a: {  	_ = 	snop  }
0x3b: {  	_ = 	snop  }
0x3c: {  	p2 =	seq.s32 s10, $0x1;
	s10 =	sld [smem:$0x3FB4]  }
0x3d: {  	_ =	shalt  }
0x3e: {  	_ =	shalt  }
0x3f: {  	_ =	shalt  }
0x40: {  	_ =	shalt  }
0x41: {  	_ =	shalt  }
0x42: {  	_ =	shalt  }
0x43: {  	_ =	shalt  }
0x44: {  	_ =	shalt  }
0x45: {  	_ =	shalt  }
0x46: {  	_ =	shalt  }
0x47: {  	_ =	shalt  }
0x48: {  	_ =	shalt  }
0x49: {  	_ =	shalt  }
0x4a: {  	_ =	shalt  }
0x4b: {  	_ =	shalt  }
0x4c: {  	_ =	shalt  }
0x4d: {  	_ =	shalt  }
0x4e: {  	_ =	shalt  }
0x4f: {  	_ =	shalt  }
0x50: {  	_ =	shalt  }
0x51: {  	_ =	shalt  }
0x52: {  	_ =	shalt  }
0x53: {  	_ =	shalt  }
0x54: {  	_ =	shalt  }
0x55: {  	_ =	shalt  }
0x56: {  	_ =	shalt  }
0x57: {  	_ =	shalt  }
0x58: {  	_ =	shalt  }
0x59: {  	_ =	shalt  }
0x5a: {  	_ =	shalt  }
0x5b: {  	_ =	shalt  }
0x5c: {  	_ =	shalt  }
0x5d: {  	_ =	shalt  }
0x5e: {  	_ =	shalt  }
0x5f: {  	_ =	shalt  }
0x60: {  	_ =	shalt  }
0x61: {  	_ =	shalt  }
0x62: {  	_ =	shalt  }
0x63: {  	_ =	shalt  }
0x64: {  	_ =	shalt  }
0x65: {  	_ =	shalt  }
0x66: {  	_ =	shalt  }
0x67: {  	_ =	shalt  }
0x68: {  	_ =	shalt  }
0x69: {  	_ =	shalt  }
0x6a: {  	_ =	shalt  }
0x6b: {  	_ =	shalt  }
0x6c: {  	_ =	shalt  }
0x6d: {  	_ =	shalt  }
0x6e: {  	_ =	shalt  }
0x6f: {  	_ =	shalt  }
0x70: {  	_ =	shalt  }
0x71: {  	_ =	shalt  }
0x72: {  	_ =	shalt  }
0x73: {  	_ =	shalt  }
0x74: {  	_ =	shalt  }
0x75: {  	_ =	shalt  }
0x76: {  	_ =	shalt  }
0x77: {  	_ =	shalt  }
0x78: {  	_ =	shalt  }
0x79: {  	_ =	shalt  }
0x7a: {  	_ =	shalt  }
0x7b: {  	_ =	shalt  }
0x7c: {  	_ =	shalt  }
0x7d: {  	_ =	shalt  }
0x7e: {  	_ =	shalt  }
0x7f: {  	_ =	shalt  }
0x80: {  	_ =	shalt  }
0x81: {  	_ =	shalt  }
0x82: {  	_ =	shalt  }
0x83: {  	_ =	shalt  }
0x84: {  	_ =	shalt  }
0x85: {  	_ =	shalt  }
0x86: {  	_ =	shalt  }
0x87: {  	_ =	shalt  }
.Lfunc_end0:
.L_simem_size_0:
called_computation_lowered:
.L_overlay_start_0:
0x88: {  	s2 =	sld [smem:$0x3FD9]  }
0x89: {  	s3 =	sld [smem:$0x3FFE];
	_ =	sdelay $0x1  }
0x8a: {  	s1 =	srdreg.scid  }
0x8b: {  	s0 =	sand.u32 $0x1, s1  }
0x8c: {  	s16 =	sshll.u32 s0, $0xA;
	s2 =	sadd.s32 s3, s2  }
0x8d: {  	s2 =	sadd.s32 s2, s16  }
0x8e: {  	[smem:$0x3FC0] =	sst s2  }
0x8f: {  	_ = 	snop  }
0x90: {  	(tm) =	ssettm $0x1  }
0x91: {  	s17 =	sld [smem:$0x3FFB];
	_ =	sdelay $0x3  }
0x92: {  	_ =	strace s17  }
0x93: {  	s2 =	sld [smem:$0x3FFC];
	_ =	sdelay $0x3  }
0x94: {  	_ =	strace s2  }
0x95: {  	s2 =	sld [smem:$0x3FFD];
	_ =	sdelay $0x3  }
0x96: {  	_ =	strace s2  }
0x97: {  	_ =	strace $0x8FFFFFFF  }
0x98: {  	s18 =	sld [smem:$0x3FDB];
	_ =	sdelay $0x1  }
0x99: {  	s19 =	simm.s32 $_scs_section_size  }
0x9a: {  	s4 =	simm.s32 $_size__tile_overlayer_lowered;
	s5 =	simm.s32 $_tile_overlayer_lowered  }
0x9b: {  	s22 =	simm.s32 $0x1BFF;
	s21 =	sshll.u32 s5, $0x1;
	s2 =	sadd.s32 s19, s18  }
0x9c: {  	s6 =	simm.s32 $0x0;
	s20 =	sshll.u32 s4, $0x1;
	s4 =	sadd.s32 s21, s2  }
0x9d: {  	[timem:s6], [sflag:s22] =	dma.local [hbm:s4], s20  }
0x9e: {  	_ =	swait.ge [sflag:s22], s20  }
0x9f: {  	s3 =	ssub.s32 $0x0, s20;
	[sflag:s22] =	ssyncset.done $0x0  }
0xa0: {  	[sflag:s22] =	ssyncadd.s32 s3;
	_ =	sdelay $0x1  }
0xa1: {  	s23 =	simm.s32 $0x1B8B  }
0xa2: {  	_ =	swait.ge [sflag:s23], $0x1  }
0xa3: {  	[sflag:s23] =	ssyncset.done $0x0  }
0xa4: {  	s25 =	simm.s32 $0x1B8E;
	s24 =	sld [smem:$0x3FFE];
	[sflag:s23] =	ssyncadd.s32 $0xFFFFFFFF  }
0xa5: {  	s26 =	simm.s32 $execute0_lowered;
	[smem:$0x3FD2] =	sst s25  }
0xa6: {  	s4 =	sshll.u32 s26, $0x1;
	_ =	strace $0x80000046;
	[dreg:$0x1] =	wrdreg $0xFFFFFFFF  }
0xa7: {  	s28 =	simm.s32 $_size_execute0_lowered;
	s2 =	sadd.s32 s2, s4;
	[dreg:$0x0] =	wrdreg $0x0  }
0xa8: {  	s4 =	sshll.u32 s28, $0x1;
	[dreg:$0x2] =	wrdreg s2  }
0xa9: {  	[dreg:$0x3] =	wrdreg s4  }
0xaa: {  	[dreg:$0x4] =	wrdreg $0xC0  }
0xab: {  	_ =	task [dreg:s6], $0x5FFFF  }
0xac: {  	[dreg:$0x1] =	wrdreg $0xFFFFFFFF  }
0xad: {  	[dreg:$0x0] =	wrdreg $0x60  }
0xae: {  	[dreg:$0x2] =	wrdreg s24  }
0xaf: {  	[dreg:$0x3] =	wrdreg $0x54100  }
0xb0: {  	[dreg:$0x4] =	wrdreg $0x9  }
0xb1: {  	_ =	task.clear_ibuf [dreg:s6], $0x5FFFF;
	_ =	strace $0x90000046  }
0xb2: {  	s29 =	simm.s32 $0x9;
	_ =	strace $0x80000048  }
0xb3: {  	_ =	swait.ge [sflag:s29], $0x1  }
0xb4: {  	[sflag:s29] =	ssyncadd.s32 $0xFFFFFFFF  }
0xb5: {  	_ =	strace $0x90000048  }
0xb6: {  	_ =	sfence  }
0xb7: {  	s30 =	sld [smem:$0x0];
	_ =	sdelay $0x2  }
0xb8: {  	s31 =	sshll.u32 s1, $0xD;
	s1 =	sshrl.u32 s1, $0x2  }
0xb9: {  	s3 =	sand.u32 $0x4000, s31;
	s1 =	sadd.s32 s1, s30  }
0xba: {  	s0 =	sor.u32 s3, s0;
	s1 =	sshll.u32 s1, $0x11  }
0xbb: {  	s0 =	sor.u32 s1, s0  }
0xbc: {  	s0 =	sadd.s32 $0x8F2B, s0  }
0xbd: {  	[sflag:s0] =	ssyncadd.remote.s32 $0x1  }
0xbe: {  	_ =	sfence.sel $0xFFFF  }
0xbf: {  	[dreg:$0x0] =	wrdreg $0xFFFFFFFF;
	(pc) =	sbr.abs _section_cstart, $3  }
0xc0: {  	[dreg:$0x1] =	wrdreg $0xFFFFFFFF  }
0xc1: {  	_ =	task.clear_ibuf [dreg:s6], $0x2FFFF;
	_ =	strace $0x9FFFFFFF  }
0xc2: {  	(tm) =	ssettm $0x7FFFFFFF  }
0xc3: {  	_ =	shalt  }
tec
execute0_lowered:
.L_overlay_start_1:
0x0: {  	(tag) =	ssettag $0x1  }
0x1: {  	s0 =	rddreg [dreg:$0x0]  }
0x2: {  	s2 =	rddreg [dreg:$0x1]  }
0x3: {  	s1 =	srdreg.scid;
	s7 =	stileid.u32;
	s3 =	simm.s32 $0x0  }
0x4: {  	s9 =	simm.s32 $0x2710;
	s10 =	simm.s32 $0x2;
	s11 =	simm.s32 $0x168  }
0x5: {  	s12 =	simm.s32 $0x3D90;
	s28 =	simm.s32 $0x1680;
	s29 =	simm.s32 $0x17E8  }
0x6: {  	s30 =	simm.s32 $0x1950;
	s31 =	simm.s32 $0x1AB8;
	s13 =	simm.s32 $0x1EF0  }
0x7: {  	s14 =	simm.s32 $0x2058;
	s15 =	simm.s32 $0x21C0;
	s16 =	simm.s32 $0x2328  }
0x8: {  	s17 =	simm.s32 $0x2490;
	s18 =	simm.s32 $0x118;
	s19 =	simm.s32 $0x25F8  }
0x9: {  	s20 =	simm.s32 $0x1;
	s1 =	sand.u32 $0x1, s1;
	s4 =	smul.u32 $0x2780, s7  }
0xa: {  	s21 =	simm.s32 $0x0;
	[smem:$0x7FF] =	sst s3;
	s5 =	smul.u32 $0x27800, s1  }
0xb: {  	_ =	strace $0x80000047;
	s6 =	sshll.u32 s1, $0x4;
	s1 =	ssub.s32 $0x2, s1  }
0xc: {  	s6 =	sor.u32 s7, s6;
	s7 =	smul.u32 $0x9E00, s7;
	s25 =	sshrl.u32 s1, $0x1  }
0xd: {  	s5 =	sadd.s32 s4, s5;
	s6 =	smul.u32 $0x2710, s6;
	s1 =	ssub.s32 s1, s25  }
0xe: {  	s4 =	sadd.s32 s4, s2;
	s25 =	simm.s32 $0x13B0;
	s7 =	sshrl.u32 s7, $0x2  }
0xf: {  	s5 =	sshrl.u32 s5, $0x3;
	s26 =	sadd.s32 s7, s2;
	s6 =	sshrl.u32 s6, $0x3  }
0x10: {  	s8 =	sadd.s32 s5, s0;
	s5 =	sadd.s32 $0x1680, s26;
	s0 =	sadd.s32 s0, s6  }
0x11: {  	s7 =	sadd.s32 $0x16000, s8;
	s8 =	smax.u32 s1, $0x1;
	s26 =	simm.s32 $0x1518  }
0x12: {  	v0 =	vimm.f32 $0.0e+00;
	v1 =	vimm.f32 $1.000000000e+00;
	s1 =	simm.s32 $0x1D88;
	s6 =	sadd.s32 $0xC240, s0;
	s0 =	simm.s32 $0x1C20  }
.LBB2_1:
0x13: {  	s22 =	simm.s32 $0x40;
	s23 =	simm.s32 $0x0  }
.LBB2_2:
0x14: {  	p0 =	sne.s32 s22, $0x59C0;
	[tilespmem:s23+$0x2710] =	vst v0;
	s24 =	smov.u32 s22;
	s22 =	sadd.s32 $0x40, s22  }
.Ltmp0:
0x15: {  	[tilespmem:s23+$0x3D90] =	vst v1;
	(pc) =	sbr.rel @p0 .LBB2_2-.Ltmp0, $2  }
0x16: {  	_ =	sdelay $0x2  }
0x17: {  	s23 =	sshra.s32 s24, $0x2  }
0x18: {  	[tilespmem:s23+$0x2710] =	vst v0  }
0x19: {  	[tilespmem:s23+$0x3D90] =	vst v1  }
0x1a: {  	[spmem:s4] =	stream.linear.scatter [tilespmem:s9], [sflag:$0x2], $0x1680, $0x38;
	[tilespmem:$0x7B90] =	vst v63  }
0x1b: {  	_ =	swait.ge [sflag:s10], $0x1680  }
0x1c: {  	[sflag:s10] =	ssyncset.done $0x0  }
0x1d: {  	[sflag:s10] =	ssyncadd.s32 $0xFFFFE980  }
0x1e: {  	[spmem:s5] =	stream.linear.scatter [tilespmem:s9], [sflag:$0x2], $0x1100, $0x38;
	[tilespmem:$0x7B90] =	vst v63  }
0x1f: {  	_ =	swait.ge [sflag:s10], $0x1100  }
0x20: {  	[sflag:s10] =	ssyncset.done $0x0  }
0x21: {  	[sflag:s10] =	ssyncadd.s32 $0xFFFFEF00  }
0x22: {  	[tilespmem:s3], [sflag:$0x2] =	stream.linear.gather [hbm4b:s6+s3], $0x2710, $0x38;
	[tilespmem:$0x7B90] =	vst v63  }
0x23: {  	_ =	swait.ge [sflag:s10], $0x2710  }
0x24: {  	[sflag:s10] =	ssyncset.done $0x0  }
0x25: {  	[sflag:s10] =	ssyncadd.s32 $0xFFFFD8F0  }
0x26: {  	[bflag:$0x0] =	sbarrier.arrive $0xFFFF  }
0x27: {  	[spmem:s2] =	stream.indirect.scatter.add.f32 [tilespmem:s12], [sflag:$0x1], $0x10, s3, s11, $0xb8;
	[tilespmem:$0x7B90] =	vst v63  }
0x28: {  	_ = 	snop  }
0x29: {  	[spmem:s2] =	stream.indirect.scatter.add.f32 [tilespmem:s12], [sflag:$0x1], $0x10, s11, s11, $0xb8;
	[tilespmem:$0x7B90] =	vst v63  }
0x2a: {  	s22 =	simm.s32 $0x2D0  }
0x2b: {  	[spmem:s2] =	stream.indirect.scatter.add.f32 [tilespmem:s12], [sflag:$0x1], $0x10, s22, s11, $0xb8;
	[tilespmem:$0x7B90] =	vst v63  }
0x2c: {  	s24 =	simm.s32 $0x438  }
0x2d: {  	[spmem:s2] =	stream.indirect.scatter.add.f32 [tilespmem:s12], [sflag:$0x1], $0x10, s24, s11, $0xb8;
	[tilespmem:$0x7B90] =	vst v63  }
0x2e: {  	s23 =	simm.s32 $0x5A0  }
0x2f: {  	[spmem:s2] =	stream.indirect.scatter.add.f32 [tilespmem:s12], [sflag:$0x1], $0x10, s23, s11, $0xb8;
	[tilespmem:$0x7B90] =	vst v63  }
0x30: {  	s24 =	simm.s32 $0x708  }
0x31: {  	[spmem:s2] =	stream.indirect.scatter.add.f32 [tilespmem:s12], [sflag:$0x1], $0x10, s24, s11, $0xb8;
	[tilespmem:$0x7B90] =	vst v63  }
0x32: {  	s23 =	simm.s32 $0x870  }
0x33: {  	[spmem:s2] =	stream.indirect.scatter.add.f32 [tilespmem:s12], [sflag:$0x1], $0x10, s23, s11, $0xb8;
	[tilespmem:$0x7B90] =	vst v63  }
0x34: {  	s24 =	simm.s32 $0x9D8  }
0x35: {  	[spmem:s2] =	stream.indirect.scatter.add.f32 [tilespmem:s12], [sflag:$0x1], $0x10, s24, s11, $0xb8;
	[tilespmem:$0x7B90] =	vst v63  }
0x36: {  	s23 =	simm.s32 $0xB40  }
0x37: {  	[spmem:s2] =	stream.indirect.scatter.add.f32 [tilespmem:s12], [sflag:$0x1], $0x10, s23, s11, $0xb8;
	[tilespmem:$0x7B90] =	vst v63  }
0x38: {  	s24 =	simm.s32 $0xCA8  }
0x39: {  	[spmem:s2] =	stream.indirect.scatter.add.f32 [tilespmem:s12], [sflag:$0x1], $0x10, s24, s11, $0xb8;
	[tilespmem:$0x7B90] =	vst v63  }
0x3a: {  	s23 =	simm.s32 $0xE10  }
0x3b: {  	[spmem:s2] =	stream.indirect.scatter.add.f32 [tilespmem:s12], [sflag:$0x1], $0x10, s23, s11, $0xb8;
	[tilespmem:$0x7B90] =	vst v63  }
0x3c: {  	s24 =	simm.s32 $0xF78  }
0x3d: {  	[spmem:s2] =	stream.indirect.scatter.add.f32 [tilespmem:s12], [sflag:$0x1], $0x10, s24, s11, $0xb8;
	[tilespmem:$0x7B90] =	vst v63  }
0x3e: {  	s23 =	simm.s32 $0x10E0  }
0x3f: {  	[spmem:s2] =	stream.indirect.scatter.add.f32 [tilespmem:s12], [sflag:$0x1], $0x10, s23, s11, $0xb8;
	[tilespmem:$0x7B90] =	vst v63  }
0x40: {  	s24 =	simm.s32 $0x1248  }
0x41: {  	[spmem:s2] =	stream.indirect.scatter.add.f32 [tilespmem:s12], [sflag:$0x1], $0x10, s24, s11, $0xb8;
	[tilespmem:$0x7B90] =	vst v63  }
0x42: {  	_ = 	snop  }
0x43: {  	[spmem:s2] =	stream.indirect.scatter.add.f32 [tilespmem:s12], [sflag:$0x1], $0x10, s25, s11, $0xb8;
	[tilespmem:$0x7B90] =	vst v63  }
0x44: {  	_ = 	snop  }
0x45: {  	[spmem:s2] =	stream.indirect.scatter.add.f32 [tilespmem:s12], [sflag:$0x1], $0x10, s26, s11, $0xb8;
	[tilespmem:$0x7B90] =	vst v63  }
0x46: {  	_ = 	snop  }
0x47: {  	[spmem:s2] =	stream.indirect.scatter.add.f32 [tilespmem:s12], [sflag:$0x1], $0x10, s28, s11, $0xb8;
	[tilespmem:$0x7B90] =	vst v63  }
0x48: {  	_ = 	snop  }
0x49: {  	[spmem:s2] =	stream.indirect.scatter.add.f32 [tilespmem:s12], [sflag:$0x1], $0x10, s29, s11, $0xb8;
	[tilespmem:$0x7B90] =	vst v63  }
0x4a: {  	_ = 	snop  }
0x4b: {  	[spmem:s2] =	stream.indirect.scatter.add.f32 [tilespmem:s12], [sflag:$0x1], $0x10, s30, s11, $0xb8;
	[tilespmem:$0x7B90] =	vst v63  }
0x4c: {  	_ = 	snop  }
0x4d: {  	[spmem:s2] =	stream.indirect.scatter.add.f32 [tilespmem:s12], [sflag:$0x1], $0x10, s31, s11, $0xb8;
	[tilespmem:$0x7B90] =	vst v63  }
0x4e: {  	_ = 	snop  }
0x4f: {  	[spmem:s2] =	stream.indirect.scatter.add.f32 [tilespmem:s12], [sflag:$0x1], $0x10, s0, s11, $0xb8;
	[tilespmem:$0x7B90] =	vst v63  }
0x50: {  	_ = 	snop  }
0x51: {  	[spmem:s2] =	stream.indirect.scatter.add.f32 [tilespmem:s12], [sflag:$0x1], $0x10, s1, s11, $0xb8;
	[tilespmem:$0x7B90] =	vst v63  }
0x52: {  	_ = 	snop  }
0x53: {  	[spmem:s2] =	stream.indirect.scatter.add.f32 [tilespmem:s12], [sflag:$0x1], $0x10, s13, s11, $0xb8;
	[tilespmem:$0x7B90] =	vst v63  }
0x54: {  	_ = 	snop  }
0x55: {  	[spmem:s2] =	stream.indirect.scatter.add.f32 [tilespmem:s12], [sflag:$0x1], $0x10, s14, s11, $0xb8;
	[tilespmem:$0x7B90] =	vst v63  }
0x56: {  	_ = 	snop  }
0x57: {  	[spmem:s2] =	stream.indirect.scatter.add.f32 [tilespmem:s12], [sflag:$0x1], $0x10, s15, s11, $0xb8;
	[tilespmem:$0x7B90] =	vst v63  }
0x58: {  	_ = 	snop  }
0x59: {  	[spmem:s2] =	stream.indirect.scatter.add.f32 [tilespmem:s12], [sflag:$0x1], $0x10, s16, s11, $0xb8;
	[tilespmem:$0x7B90] =	vst v63  }
0x5a: {  	_ = 	snop  }
0x5b: {  	[spmem:s2] =	stream.indirect.scatter.add.f32 [tilespmem:s12], [sflag:$0x1], $0x10, s17, s11, $0xb8;
	[tilespmem:$0x7B90] =	vst v63  }
0x5c: {  	_ = 	snop  }
0x5d: {  	[spmem:s2] =	stream.indirect.scatter.add.f32 [tilespmem:s12], [sflag:$0x2], $0x10, s19, s18, $0xb8;
	[tilespmem:$0x7B90] =	vst v63  }
0x5e: {  	_ =	swait.ge [sflag:s10], $0x1180  }
0x5f: {  	[sflag:s10] =	ssyncset.done $0x0  }
0x60: {  	[sflag:s10] =	ssyncadd.s32 $0xFFFFEE80  }
0x61: {  	_ =	swait.ge [sflag:s20], $0x1680  }
0x62: {  	[sflag:s20] =	ssyncset.done $0x0  }
0x63: {  	[sflag:s20] =	ssyncadd.s32 $0xFFFFE980  }
0x64: {  	_ =	swait.ge [sflag:s20], $0x1680  }
0x65: {  	[sflag:s20] =	ssyncset.done $0x0  }
0x66: {  	[sflag:s20] =	ssyncadd.s32 $0xFFFFE980  }
0x67: {  	_ =	swait.ge [sflag:s20], $0x1680  }
0x68: {  	[sflag:s20] =	ssyncset.done $0x0  }
0x69: {  	[sflag:s20] =	ssyncadd.s32 $0xFFFFE980  }
0x6a: {  	_ =	swait.ge [sflag:s20], $0x1680  }
0x6b: {  	[sflag:s20] =	ssyncset.done $0x0  }
0x6c: {  	[sflag:s20] =	ssyncadd.s32 $0xFFFFE980  }
0x6d: {  	_ =	swait.ge [sflag:s20], $0x1680  }
0x6e: {  	[sflag:s20] =	ssyncset.done $0x0  }
0x6f: {  	[sflag:s20] =	ssyncadd.s32 $0xFFFFE980  }
0x70: {  	_ =	swait.ge [sflag:s20], $0x1680  }
0x71: {  	[sflag:s20] =	ssyncset.done $0x0  }
0x72: {  	[sflag:s20] =	ssyncadd.s32 $0xFFFFE980  }
0x73: {  	_ =	swait.ge [sflag:s20], $0x1680  }
0x74: {  	[sflag:s20] =	ssyncset.done $0x0  }
0x75: {  	[sflag:s20] =	ssyncadd.s32 $0xFFFFE980  }
0x76: {  	_ =	swait.ge [sflag:s20], $0x1680  }
0x77: {  	[sflag:s20] =	ssyncset.done $0x0  }
0x78: {  	[sflag:s20] =	ssyncadd.s32 $0xFFFFE980  }
0x79: {  	_ =	swait.ge [sflag:s20], $0x1680  }
0x7a: {  	[sflag:s20] =	ssyncset.done $0x0  }
0x7b: {  	[sflag:s20] =	ssyncadd.s32 $0xFFFFE980  }
0x7c: {  	_ =	swait.ge [sflag:s20], $0x1680  }
0x7d: {  	[sflag:s20] =	ssyncset.done $0x0  }
0x7e: {  	[sflag:s20] =	ssyncadd.s32 $0xFFFFE980  }
0x7f: {  	_ =	swait.ge [sflag:s20], $0x1680  }
0x80: {  	[sflag:s20] =	ssyncset.done $0x0  }
0x81: {  	[sflag:s20] =	ssyncadd.s32 $0xFFFFE980  }
0x82: {  	_ =	swait.ge [sflag:s20], $0x1680  }
0x83: {  	[sflag:s20] =	ssyncset.done $0x0  }
0x84: {  	[sflag:s20] =	ssyncadd.s32 $0xFFFFE980  }
0x85: {  	_ =	swait.ge [sflag:s20], $0x1680  }
0x86: {  	[sflag:s20] =	ssyncset.done $0x0  }
0x87: {  	[sflag:s20] =	ssyncadd.s32 $0xFFFFE980  }
0x88: {  	_ =	swait.ge [sflag:s20], $0x1680  }
0x89: {  	[sflag:s20] =	ssyncset.done $0x0  }
0x8a: {  	[sflag:s20] =	ssyncadd.s32 $0xFFFFE980  }
0x8b: {  	_ =	swait.ge [sflag:s20], $0x1680  }
0x8c: {  	[sflag:s20] =	ssyncset.done $0x0  }
0x8d: {  	[sflag:s20] =	ssyncadd.s32 $0xFFFFE980  }
0x8e: {  	_ =	swait.ge [sflag:s20], $0x1680  }
0x8f: {  	[sflag:s20] =	ssyncset.done $0x0  }
0x90: {  	[sflag:s20] =	ssyncadd.s32 $0xFFFFE980  }
0x91: {  	_ =	swait.ge [sflag:s20], $0x1680  }
0x92: {  	[sflag:s20] =	ssyncset.done $0x0  }
0x93: {  	[sflag:s20] =	ssyncadd.s32 $0xFFFFE980  }
0x94: {  	_ =	swait.ge [sflag:s20], $0x1680  }
0x95: {  	[sflag:s20] =	ssyncset.done $0x0  }
0x96: {  	[sflag:s20] =	ssyncadd.s32 $0xFFFFE980  }
0x97: {  	_ =	swait.ge [sflag:s20], $0x1680  }
0x98: {  	[sflag:s20] =	ssyncset.done $0x0  }
0x99: {  	[sflag:s20] =	ssyncadd.s32 $0xFFFFE980  }
0x9a: {  	_ =	swait.ge [sflag:s20], $0x1680  }
0x9b: {  	[sflag:s20] =	ssyncset.done $0x0  }
0x9c: {  	[sflag:s20] =	ssyncadd.s32 $0xFFFFE980  }
0x9d: {  	_ =	swait.ge [sflag:s20], $0x1680  }
0x9e: {  	[sflag:s20] =	ssyncset.done $0x0  }
0x9f: {  	[sflag:s20] =	ssyncadd.s32 $0xFFFFE980  }
0xa0: {  	_ =	swait.ge [sflag:s20], $0x1680  }
0xa1: {  	[sflag:s20] =	ssyncset.done $0x0  }
0xa2: {  	[sflag:s20] =	ssyncadd.s32 $0xFFFFE980  }
0xa3: {  	_ =	swait.ge [sflag:s20], $0x1680  }
0xa4: {  	[sflag:s20] =	ssyncset.done $0x0  }
0xa5: {  	[sflag:s20] =	ssyncadd.s32 $0xFFFFE980  }
0xa6: {  	_ =	swait.ge [sflag:s20], $0x1680  }
0xa7: {  	[sflag:s20] =	ssyncset.done $0x0  }
0xa8: {  	[sflag:s20] =	ssyncadd.s32 $0xFFFFE980  }
0xa9: {  	_ =	swait.ge [sflag:s20], $0x1680  }
0xaa: {  	[sflag:s20] =	ssyncset.done $0x0  }
0xab: {  	[sflag:s20] =	ssyncadd.s32 $0xFFFFE980  }
0xac: {  	_ =	swait.ge [sflag:s20], $0x1680  }
0xad: {  	[sflag:s20] =	ssyncset.done $0x0  }
0xae: {  	[sflag:s20] =	ssyncadd.s32 $0xFFFFE980  }
0xaf: {  	s23 =	stileid.u32;
	_ =	swait.ge [sflag:s20], $0x1680  }
0xb0: {  	s21 =	sadd.s32 $0x1, s21;
	s22 =	sshll.u32 s23, $0x6;
	[sflag:s20] =	ssyncset.done $0x0  }
0xb1: {  	p0 =	sne.s32 s21, s8;
	s22 =	sor.u32 $0x1C02, s22;
	[sflag:s20] =	ssyncadd.s32 $0xFFFFE980  }
.Ltmp1:
0xb2: {  	s24 =	sshrl.u32 s4, $0x3;
	[bflag:$0x0] =	sbarrier.arrive $0xFFFF;
	(pc) =	sbr.rel @p0 .LBB2_1-.Ltmp1, $4  }
0xb3: {  	[hbm:s7], [sflag:s22] =	dma.local [spmem:s24], $0x4F0  }
0xb4: {  	_ =	swait.ge [sflag:s10], $0x4F0  }
0xb5: {  	[sflag:s10] =	ssyncset.done $0x0  }
0xb6: {  	[sflag:s10] =	ssyncadd.s32 $0xFFFFFB10  }
0xb7: {  	_ =	sfence.sel $0x180000  }
0xb8: {  	[bflag:$0x0] =	sbarrier.arrive $0xFFFF  }
0xb9: {  	_ =	strace $0x90000047  }
0xba: {  	s0 =	stileid.u32;
	[bflag:$0x2] =	sbarrier.arrive $0xFFFF  }
0xbb: {  	p0 =	sne.s32 s0, $0x0;
	s0 =	rddreg [dreg:$0x2]  }
0xbc: {  	s0 =	sadd.s32 @!p0 $0x100000, s0  }
0xbd: {  	[sflag:s0] =	ssyncadd.tile.s32 @!p0 $0x1;
	_ =	shalt  }
.Lfunc_end2:
_tile_overlayer_lowered:
.L_overlay_start_2:
0xbe: {  	(tag) =	ssettag $0x2  }
0xbf: {  	s0 =	rddreg [dreg:$0x0];
	s2 =	stileid.u32  }
0xc0: {  	s1 =	rddreg [dreg:$0x1];
	p0 =	sne.s32 s2, $0x0  }
0xc1: {  	s3 =	rddreg [dreg:$0x2];
	[bflag:$0x3] =	sbarrier.arrive $0xFFFF;
	s2 =	simm.s32 @!p0 $0x1C02  }
0xc2: {  	[timem:s3], [sflag:s2] =	dma.local @!p0 [hbm:s0], s1  }
0xc3: {  	s0 =	simm.s32 @!p0 $0x2  }
0xc4: {  	_ =	swait.ge @!p0 [sflag:s0], s1  }
0xc5: {  	s1 =	ssub.s32 @!p0 $0x0, s1;
	[sflag:s0] =	ssyncset.done @!p0 $0x0  }
0xc6: {  	[sflag:s0] =	ssyncadd.s32 @!p0 s1  }
0xc7: {  	[bflag:$0x3] =	sbarrier.arrive $0xFFFF  }
0xc8: {  	_ =	shalt  }

</sc_bundles>
